<compile_context>
chip_gen: v7x
topology: tpu7x:2x2x1
jax: 0.10.2.dev20260603
libtpu: 0.0.44.dev20260713+nightly
codegen_flags: <defaults>
</compile_context>

<pallas_src>
import functools

import jax
import jax.numpy as jnp
from jax import lax
from jax.experimental import pallas as pl
from jax.experimental.pallas import tpu as pltpu
from jax.experimental.pallas import tpu_sc as plsc

N_NODES = 10000
N_EDGES = 320000
D_FEAT = 128
D_HID = 16
N_CLASSES = 10

NC = 2
NS = 16
NW = NC * NS
CHUNK = 128
NPAD = 10240
NPT = NPAD // NS
CPT = 80
NBUF = 8
EPAD = NW * CPT * CHUNK


def _mesh():
    return plsc.VectorSubcoreMesh(
        core_axis_name="c", subcore_axis_name="s", num_cores=NC, num_subcores=NS
    )



RCHUNKS = N_EDGES // CHUNK


@functools.partial(
    pl.kernel,
    out_type=jax.ShapeDtypeStruct((NC * NPAD,), jnp.float32),
    mesh=_mesh(),
    scratch_types=[
        pltpu.VMEM((NBUF, 2, CHUNK), jnp.int32),
        pltpu.VMEM((CHUNK,), jnp.float32),
        pltpu.VMEM((NPAD,), jnp.float32),
        pltpu.VMEM_SHARED((NPAD,), jnp.float32),
        pltpu.SemaphoreType.DMA((NBUF,)),
        pltpu.SemaphoreType.DMA((NBUF,)),
    ],
)
def _deg_kernel(ei_hbm, ones_hbm, zero_hbm, out_hbm, pair_v, ones_v, stage_v,
                acc_sh, gsem, ssem):
    cid = lax.axis_index("c")
    sid = lax.axis_index("s")
    wid = sid * NC + cid
    pltpu.sync_copy(ones_hbm, ones_v)

    @pl.when(sid == 0)
    def _():
        pltpu.sync_copy(zero_hbm, stage_v)
        pltpu.sync_copy(stage_v, acc_sh)

    plsc.subcore_barrier()

    base = 78 * wid + jnp.minimum(wid, 4)
    n_w = jnp.where(wid < 4, 79, 78)

    for k in range(NBUF - 1):
        @pl.when(k < n_w)
        def _():
            pltpu.async_copy(ei_hbm.at[0:2, pl.ds((base + k) * CHUNK, CHUNK)],
                             pair_v.at[k], gsem.at[k])

    def body(j, carry):
        b = lax.rem(j, NBUF)
        pltpu.make_async_copy(ei_hbm.at[0:2, pl.ds((base + j) * CHUNK, CHUNK)],
                              pair_v.at[b], gsem.at[b]).wait()
        pltpu.async_copy(ones_v, acc_sh.at[pair_v.at[b, 1]], ssem.at[b],
                         add=True)
        jn = j + NBUF - 1

        @pl.when(jn < n_w)
        def _():
            bn = lax.rem(jn, NBUF)

            @pl.when(j >= 1)
            def _():
                pltpu.make_async_copy(ones_v, acc_sh.at[pair_v.at[bn, 1]],
                                      ssem.at[bn]).wait()

            pltpu.async_copy(ei_hbm.at[0:2, pl.ds((base + jn) * CHUNK, CHUNK)],
                             pair_v.at[bn], gsem.at[bn])

        return carry

    lax.fori_loop(0, n_w, body, 0)

    def drain(jj, carry):
        b = lax.rem(jj, NBUF)
        pltpu.make_async_copy(ones_v, acc_sh.at[pair_v.at[b, 1]],
                              ssem.at[b]).wait()
        return carry

    lax.fori_loop(n_w - NBUF, n_w, drain, 0)
    plsc.subcore_barrier()

    @pl.when(sid == 0)
    def _():
        pltpu.sync_copy(acc_sh, stage_v)
        pltpu.sync_copy(stage_v, out_hbm.at[pl.ds(cid * NPAD, NPAD)])


@functools.partial(
    pl.kernel,
    out_type=jax.ShapeDtypeStruct((NC, NPAD, D_HID), jnp.float32),
    mesh=_mesh(),
    scratch_types=[
        pltpu.VMEM((CPT, CHUNK), jnp.int32),
        pltpu.VMEM((CPT, CHUNK), jnp.int32),
        pltpu.VMEM((NBUF, CHUNK, D_HID), jnp.float32),
        pltpu.VMEM((NPT, D_HID), jnp.float32),
        pltpu.VMEM_SHARED((NPAD, D_HID), jnp.float32),
        pltpu.SemaphoreType.DMA((NBUF,)),
        pltpu.SemaphoreType.DMA((NBUF,)),
    ],
    compiler_params=pltpu.CompilerParams(use_tc_tiling_on_sc=False),
)
def _agg_kernel(g_hbm, src_hbm, dst_hbm, zero_hbm, out_hbm,
                src_v, dst_v, rows_v, stage_v, acc_sh, gsem, ssem):
    cid = lax.axis_index("c")
    sid = lax.axis_index("s")
    wid = sid * NC + cid
    pltpu.sync_copy(zero_hbm, stage_v)
    pltpu.sync_copy(stage_v, acc_sh.at[pl.ds(sid * NPT, NPT)])
    pltpu.sync_copy(src_hbm.at[pl.ds(wid * CPT, CPT)], src_v)
    pltpu.sync_copy(dst_hbm.at[pl.ds(wid * CPT, CPT)], dst_v)
    plsc.subcore_barrier()

    for k in range(NBUF - 1):
        pltpu.async_copy(g_hbm.at[src_v.at[k]], rows_v.at[k], gsem.at[k])

    def body(j, carry):
        b = lax.rem(j, NBUF)
        pltpu.make_async_copy(g_hbm.at[src_v.at[j]], rows_v.at[b],
                              gsem.at[b]).wait()
        pltpu.async_copy(rows_v.at[b], acc_sh.at[dst_v.at[j]], ssem.at[b],
                         add=True)
        jn = j + NBUF - 1

        @pl.when(jn < CPT)
        def _():
            bn = lax.rem(jn, NBUF)

            @pl.when(j >= 1)
            def _():
                pltpu.make_async_copy(rows_v.at[bn], acc_sh.at[dst_v.at[j - 1]],
                                      ssem.at[bn]).wait()

            pltpu.async_copy(g_hbm.at[src_v.at[jn]], rows_v.at[bn], gsem.at[bn])

        return carry

    lax.fori_loop(0, CPT, body, 0)

    def drain(jj, carry):
        b = lax.rem(jj, NBUF)
        pltpu.make_async_copy(rows_v.at[b], acc_sh.at[dst_v.at[jj]],
                              ssem.at[b]).wait()
        return carry

    lax.fori_loop(CPT - NBUF, CPT, drain, 0)
    plsc.subcore_barrier()
    pltpu.sync_copy(acc_sh.at[pl.ds(sid * NPT, NPT)], stage_v)
    pltpu.sync_copy(stage_v, out_hbm.at[cid, pl.ds(sid * NPT, NPT)])



def _mm1_body(degp_ref, x_ref, w_ref, g_ref, dinv_ref):
    deg_row = degp_ref[0:1, :] + degp_ref[1:2, :] + 1.0
    dinv_row = lax.rsqrt(deg_row)
    dinv = lax.dot_general(dinv_row, jnp.ones((1, D_HID), jnp.float32),
                           (((0,), (0,)), ((), ())),
                           preferred_element_type=jnp.float32)
    dinv_ref[...] = dinv
    h = jnp.dot(x_ref[...], w_ref[...], preferred_element_type=jnp.float32)
    g_ref[0:N_NODES, :] = h * dinv[0:N_NODES]
    g_ref[N_NODES:NPAD, :] = jnp.zeros((NPAD - N_NODES, D_HID), jnp.float32)


def _mm2_body(s1_ref, dinv_ref, w2_ref, g2_ref):
    t = jnp.maximum(s1_ref[...], 0.0)
    h2 = jnp.dot(t, w2_ref[...], preferred_element_type=jnp.float32)
    g2_ref[...] = h2 * dinv_ref[...]


_F32 = jnp.float32


def kernel(x, edge_index, W1, b1, W2, b2):
    ei32 = edge_index.astype(jnp.int32)
    src = ei32[0]
    dst = ei32[1]
    pad_e = EPAD - N_EDGES
    pad_idx = NPAD - CHUNK + jnp.tile(jnp.arange(CHUNK, dtype=jnp.int32),
                                      pad_e // CHUNK)
    src2 = jnp.concatenate([src, pad_idx]).reshape(NW * CPT, CHUNK)
    dst2 = jnp.concatenate([dst, pad_idx]).reshape(NW * CPT, CHUNK)
    W2p = jnp.pad(W2, ((0, 0), (0, D_HID - N_CLASSES)))
    b1r = jnp.reshape(b1, (1, D_HID))
    b2r = jnp.pad(b2, (0, D_HID - N_CLASSES)).reshape(1, D_HID)

    ones_c = jnp.ones((CHUNK,), _F32)
    zero_n = jnp.zeros((NPAD,), _F32)
    zero_nd = jnp.zeros((NPT, D_HID), _F32)

    degp = _deg_kernel(ei32, ones_c, zero_n).reshape(NC, NPAD)

    g1, dinv16 = pl.pallas_call(
        _mm1_body,
        out_shape=[jax.ShapeDtypeStruct((NPAD, D_HID), _F32),
                   jax.ShapeDtypeStruct((NPAD, D_HID), _F32)],
    )(degp, x, W1)

    a1 = _agg_kernel(g1, src2, dst2, zero_nd)

    s1 = dinv16 * (a1[0] + a1[1] + g1) + b1r

    g2 = pl.pallas_call(
        _mm2_body,
        out_shape=jax.ShapeDtypeStruct((NPAD, D_HID), _F32),
    )(s1, dinv16, W2p)

    a2 = _agg_kernel(g2, src2, dst2, zero_nd)

    z = (dinv16 * (a2[0] + a2[1] + g2) + b2r)[:N_NODES, :N_CLASSES]
    return 1.0 / (1.0 + jnp.exp(-z))

# --- scband reference (transcript-rebuilt; emitter-appended) ---
"""Pipeline reference for scband-net-59339268161711 (READ-ONLY COPY).

The authoritative reference and input builder live on the scoring server;
editing this copy changes nothing except your own understanding.
"""

import jax, jax.numpy as jnp
import numpy as np

N_NODES = 10000
N_EDGES = 320000
D_FEAT = 128
D_HID = 16
N_CLASSES = 10


def setup_inputs(seed: int = 0) -> dict:
    key = jax.random.key(seed)
    k1, k2, k3, k4, k5, k6 = jax.random.split(key, 6)
    x = jax.random.normal(k1, (N_NODES, D_FEAT), dtype=jnp.float32)
    edge_index = jax.random.randint(k2, (2, N_EDGES), 0, N_NODES, dtype=jnp.int64)
    # GCNConv layer params (glorot-ish scaling)
    W1 = jax.random.normal(k3, (D_FEAT, D_HID), dtype=jnp.float32) * (1.0 / np.sqrt(D_FEAT))
    b1 = jnp.zeros((D_HID,), dtype=jnp.float32)
    W2 = jax.random.normal(k4, (D_HID, N_CLASSES), dtype=jnp.float32) * (1.0 / np.sqrt(D_HID))
    b2 = jnp.zeros((N_CLASSES,), dtype=jnp.float32)
    return {"x": x, "edge_index": edge_index, "W1": W1, "b1": b1, "W2": W2, "b2": b2}


def _gcn_conv(x, edge_index, W, b, num_nodes):
    # x' = D^{-1/2} (A + I) D^{-1/2} (x W) + b   (standard GCNConv with self-loops)
    h = x @ W
    loop = jnp.arange(num_nodes, dtype=edge_index.dtype)
    src = jnp.concatenate([edge_index[0], loop])
    dst = jnp.concatenate([edge_index[1], loop])
    ones = jnp.ones(src.shape[0], dtype=h.dtype)
    deg = jax.ops.segment_sum(ones, dst, num_segments=num_nodes)
    deg_inv_sqrt = jnp.where(deg > 0, jax.lax.rsqrt(jnp.maximum(deg, 1e-12)), 0.0)
    norm = deg_inv_sqrt[src] * deg_inv_sqrt[dst]
    msg = norm[:, None] * jnp.take(h, src, axis=0)
    out = jax.ops.segment_sum(msg, dst, num_segments=num_nodes)
    return out + b


def reference(x, edge_index, W1, b1, W2, b2):
    # eval mode: dropout is identity
    h = _gcn_conv(x, edge_index, W1, b1, N_NODES)
    h = jax.nn.relu(h)
    h = _gcn_conv(h, edge_index, W2, b2, N_NODES)
    return jax.nn.sigmoid(h)

if __name__ == "__main__":
    import jax
    _d = setup_inputs()
    print(jax.jit(kernel)(*tuple(_d.values())))

</pallas_src>

<mosaic_0001>
#map = affine_map<(d0, d1) -> (0, 0)>
#map1 = affine_map<(d0, d1) -> (0, 0, 0)>
module attributes {stable_mosaic.version = 14 : i64} {
  func.func @_agg_kernel(%arg0: i32, %arg1: i32, %arg2: memref<10240x16xf32, #tpu.memory_space<hbm>>, %arg3: memref<2560x128xi32, #tpu.memory_space<hbm>>, %arg4: memref<2560x128xi32, #tpu.memory_space<hbm>>, %arg5: memref<640x16xf32, #tpu.memory_space<hbm>>, %arg6: memref<2x10240x16xf32, #tpu.memory_space<hbm>>, %arg7: memref<80x128xi32, #tpu.memory_space<vmem>>, %arg8: memref<80x128xi32, #tpu.memory_space<vmem>>, %arg9: memref<8x128x16xf32, #tpu.memory_space<vmem>>, %arg10: memref<640x16xf32, #tpu.memory_space<vmem>>, %arg11: memref<10240x16xf32, #tpu.memory_space<vmem_shared>>, %arg12: memref<8x!tpu.dma_semaphore, #tpu.memory_space<semaphore_mem>>, %arg13: memref<8x!tpu.dma_semaphore, #tpu.memory_space<semaphore_mem>>) attributes {dimension_semantics = [#tpu.dimension_semantics<core_parallel>, #tpu.dimension_semantics<subcore_parallel>], iteration_bounds = array<i64: 2, 16>, scalar_prefetch = 0 : i64, scratch_operands = 7 : i64, tpu.core_type = #tpu.core_type<sc_vector_subcore>, window_params = [{transform_indices = #map}, {transform_indices = #map}, {transform_indices = #map}, {transform_indices = #map}, {transform_indices = #map1}]} {
    %mul3A = arith.constant 2 : i32
    %mul3A_0 = arith.muli %arg1, %mul3A : i32
    %add3A = arith.addi %mul3A_0, %arg0 : i32
    "tpu.region"() ({
      %run_scoped3A = tpu.sem_alloc : memref<!tpu.dma_semaphore, #tpu.memory_space<semaphore_mem>>
      tpu.enqueue_dma source(%arg5 : memref<640x16xf32, #tpu.memory_space<hbm>>) target(%arg10 : memref<640x16xf32, #tpu.memory_space<vmem>>) target_semaphore(%run_scoped3A : memref<!tpu.dma_semaphore, #tpu.memory_space<semaphore_mem>>)
      tpu.wait_dma2 semaphore(%run_scoped3A : memref<!tpu.dma_semaphore, #tpu.memory_space<semaphore_mem>>) src(%arg5 : memref<640x16xf32, #tpu.memory_space<hbm>>) dst(%arg10 : memref<640x16xf32, #tpu.memory_space<vmem>>)
      tpu.yield
    }) : () -> ()
    %mul3A_1 = arith.constant 640 : i32
    %mul3A_2 = arith.muli %arg1, %mul3A_1 : i32
    "tpu.region"() ({
      %run_scoped3A = tpu.sem_alloc : memref<!tpu.dma_semaphore, #tpu.memory_space<semaphore_mem>>
      %dma_start3A_127 = arith.constant 0 : i32
      %dma_start3A_128 = tpu.memref_slice %arg11[%mul3A_2, %dma_start3A_127] : memref<10240x16xf32, #tpu.memory_space<vmem_shared>> -> memref<640x16xf32, #tpu.memory_space<vmem_shared>>
      %dma_start3A_129 = arith.constant 0 : i32
      %dma_start3A_130 = tpu.memref_slice %arg11[%mul3A_2, %dma_start3A_129] : memref<10240x16xf32, #tpu.memory_space<vmem_shared>> -> memref<640x16xf32, #tpu.memory_space<vmem_shared>>
      tpu.enqueue_dma source(%arg10 : memref<640x16xf32, #tpu.memory_space<vmem>>) target(%dma_start3A_130 : memref<640x16xf32, #tpu.memory_space<vmem_shared>>) target_semaphore(%run_scoped3A : memref<!tpu.dma_semaphore, #tpu.memory_space<semaphore_mem>>)
      %dma_wait3A = arith.constant 0 : i32
      %dma_wait3A_131 = tpu.memref_slice %arg11[%mul3A_2, %dma_wait3A] : memref<10240x16xf32, #tpu.memory_space<vmem_shared>> -> memref<640x16xf32, #tpu.memory_space<vmem_shared>>
      %dma_wait3A_132 = arith.constant 0 : i32
      %dma_wait3A_133 = tpu.memref_slice %arg11[%mul3A_2, %dma_wait3A_132] : memref<10240x16xf32, #tpu.memory_space<vmem_shared>> -> memref<640x16xf32, #tpu.memory_space<vmem_shared>>
      tpu.wait_dma2 semaphore(%run_scoped3A : memref<!tpu.dma_semaphore, #tpu.memory_space<semaphore_mem>>) src(%arg10 : memref<640x16xf32, #tpu.memory_space<vmem>>) dst(%dma_wait3A_133 : memref<640x16xf32, #tpu.memory_space<vmem_shared>>)
      tpu.yield
    }) : () -> ()
    %mul3A_3 = arith.constant 80 : i32
    %mul3A_4 = arith.muli %add3A, %mul3A_3 : i32
    "tpu.region"() ({
      %run_scoped3A = tpu.sem_alloc : memref<!tpu.dma_semaphore, #tpu.memory_space<semaphore_mem>>
      %dma_start3A_127 = arith.constant 0 : i32
      %dma_start3A_128 = tpu.memref_slice %arg3[%mul3A_4, %dma_start3A_127] : memref<2560x128xi32, #tpu.memory_space<hbm>> -> memref<80x128xi32, #tpu.memory_space<hbm>>
      %dma_start3A_129 = arith.constant 0 : i32
      %dma_start3A_130 = tpu.memref_slice %arg3[%mul3A_4, %dma_start3A_129] : memref<2560x128xi32, #tpu.memory_space<hbm>> -> memref<80x128xi32, #tpu.memory_space<hbm>>
      tpu.enqueue_dma source(%dma_start3A_130 : memref<80x128xi32, #tpu.memory_space<hbm>>) target(%arg7 : memref<80x128xi32, #tpu.memory_space<vmem>>) target_semaphore(%run_scoped3A : memref<!tpu.dma_semaphore, #tpu.memory_space<semaphore_mem>>)
      %dma_wait3A = arith.constant 0 : i32
      %dma_wait3A_131 = tpu.memref_slice %arg3[%mul3A_4, %dma_wait3A] : memref<2560x128xi32, #tpu.memory_space<hbm>> -> memref<80x128xi32, #tpu.memory_space<hbm>>
      %dma_wait3A_132 = arith.constant 0 : i32
      %dma_wait3A_133 = tpu.memref_slice %arg3[%mul3A_4, %dma_wait3A_132] : memref<2560x128xi32, #tpu.memory_space<hbm>> -> memref<80x128xi32, #tpu.memory_space<hbm>>
      tpu.wait_dma2 semaphore(%run_scoped3A : memref<!tpu.dma_semaphore, #tpu.memory_space<semaphore_mem>>) src(%dma_wait3A_133 : memref<80x128xi32, #tpu.memory_space<hbm>>) dst(%arg7 : memref<80x128xi32, #tpu.memory_space<vmem>>)
      tpu.yield
    }) : () -> ()
    %mul3A_5 = arith.constant 80 : i32
    %mul3A_6 = arith.muli %add3A, %mul3A_5 : i32
    "tpu.region"() ({
      %run_scoped3A = tpu.sem_alloc : memref<!tpu.dma_semaphore, #tpu.memory_space<semaphore_mem>>
      %dma_start3A_127 = arith.constant 0 : i32
      %dma_start3A_128 = tpu.memref_slice %arg4[%mul3A_6, %dma_start3A_127] : memref<2560x128xi32, #tpu.memory_space<hbm>> -> memref<80x128xi32, #tpu.memory_space<hbm>>
      %dma_start3A_129 = arith.constant 0 : i32
      %dma_start3A_130 = tpu.memref_slice %arg4[%mul3A_6, %dma_start3A_129] : memref<2560x128xi32, #tpu.memory_space<hbm>> -> memref<80x128xi32, #tpu.memory_space<hbm>>
      tpu.enqueue_dma source(%dma_start3A_130 : memref<80x128xi32, #tpu.memory_space<hbm>>) target(%arg8 : memref<80x128xi32, #tpu.memory_space<vmem>>) target_semaphore(%run_scoped3A : memref<!tpu.dma_semaphore, #tpu.memory_space<semaphore_mem>>)
      %dma_wait3A = arith.constant 0 : i32
      %dma_wait3A_131 = tpu.memref_slice %arg4[%mul3A_6, %dma_wait3A] : memref<2560x128xi32, #tpu.memory_space<hbm>> -> memref<80x128xi32, #tpu.memory_space<hbm>>
      %dma_wait3A_132 = arith.constant 0 : i32
      %dma_wait3A_133 = tpu.memref_slice %arg4[%mul3A_6, %dma_wait3A_132] : memref<2560x128xi32, #tpu.memory_space<hbm>> -> memref<80x128xi32, #tpu.memory_space<hbm>>
      tpu.wait_dma2 semaphore(%run_scoped3A : memref<!tpu.dma_semaphore, #tpu.memory_space<semaphore_mem>>) src(%dma_wait3A_133 : memref<80x128xi32, #tpu.memory_space<hbm>>) dst(%arg8 : memref<80x128xi32, #tpu.memory_space<vmem>>)
      tpu.yield
    }) : () -> ()
    %barrier3A = arith.constant 0 : index
    tpu.barrier barrier_id(%barrier3A)
    %dma_start3A = arith.constant 0 : i32
    %dma_start3A_7 = arith.constant 0 : i32
    %dma_start3A_8 = arith.constant 0 : i32
    %dma_start3A_9 = arith.constant 0 : i32
    %dma_start3A_10 = arith.constant 0 : i32
    %dma_start3A_11 = tpu.memref_slice %arg9[%dma_start3A_7, %dma_start3A_9, %dma_start3A_10] : memref<8x128x16xf32, #tpu.memory_space<vmem>> -> memref<1x128x16xf32, #tpu.memory_space<vmem>>
    %dma_start3A_12 = tpu.memref_squeeze %dma_start3A_11 : memref<1x128x16xf32, #tpu.memory_space<vmem>> -> memref<128x16xf32, #tpu.memory_space<vmem>>
    %dma_start3A_13 = arith.constant 0 : i32
    %dma_start3A_14 = tpu.memref_slice %arg7[%dma_start3A, %dma_start3A_13] : memref<80x128xi32, #tpu.memory_space<vmem>> -> memref<1x128xi32, #tpu.memory_space<vmem>>
    %dma_start3A_15 = tpu.memref_squeeze %dma_start3A_14 : memref<1x128xi32, #tpu.memory_space<vmem>> -> memref<128xi32, #tpu.memory_space<vmem>>
    %dma_start3A_16 = arith.constant 0 : i32
    %dma_start3A_17 = arith.constant 0 : i32
    %dma_start3A_18 = tpu.memref_slice %arg2[%dma_start3A_16, %dma_start3A_17] : memref<10240x16xf32, #tpu.memory_space<hbm>> -> memref<10240x16xf32, #tpu.memory_space<hbm>>
    %dma_start3A_19 = tpu.memref_slice %arg12[%dma_start3A_8] : memref<8x!tpu.dma_semaphore, #tpu.memory_space<semaphore_mem>> -> memref<1x!tpu.dma_semaphore, #tpu.memory_space<semaphore_mem>>
    %dma_start3A_20 = tpu.memref_squeeze %dma_start3A_19 : memref<1x!tpu.dma_semaphore, #tpu.memory_space<semaphore_mem>> -> memref<!tpu.dma_semaphore, #tpu.memory_space<semaphore_mem>>
    tpu.enqueue_indirect_dma source(%dma_start3A_18 : memref<10240x16xf32, #tpu.memory_space<hbm>>) target(%dma_start3A_12 : memref<128x16xf32, #tpu.memory_space<vmem>>) offsets(%dma_start3A_15 : memref<128xi32, #tpu.memory_space<vmem>>) semaphore(%dma_start3A_20 : memref<!tpu.dma_semaphore, #tpu.memory_space<semaphore_mem>>)
    %dma_start3A_21 = arith.constant 1 : i32
    %dma_start3A_22 = arith.constant 1 : i32
    %dma_start3A_23 = arith.constant 1 : i32
    %dma_start3A_24 = arith.constant 0 : i32
    %dma_start3A_25 = arith.constant 0 : i32
    %dma_start3A_26 = tpu.memref_slice %arg9[%dma_start3A_22, %dma_start3A_24, %dma_start3A_25] : memref<8x128x16xf32, #tpu.memory_space<vmem>> -> memref<1x128x16xf32, #tpu.memory_space<vmem>>
    %dma_start3A_27 = tpu.memref_squeeze %dma_start3A_26 : memref<1x128x16xf32, #tpu.memory_space<vmem>> -> memref<128x16xf32, #tpu.memory_space<vmem>>
    %dma_start3A_28 = arith.constant 0 : i32
    %dma_start3A_29 = tpu.memref_slice %arg7[%dma_start3A_21, %dma_start3A_28] : memref<80x128xi32, #tpu.memory_space<vmem>> -> memref<1x128xi32, #tpu.memory_space<vmem>>
    %dma_start3A_30 = tpu.memref_squeeze %dma_start3A_29 : memref<1x128xi32, #tpu.memory_space<vmem>> -> memref<128xi32, #tpu.memory_space<vmem>>
    %dma_start3A_31 = arith.constant 0 : i32
    %dma_start3A_32 = arith.constant 0 : i32
    %dma_start3A_33 = tpu.memref_slice %arg2[%dma_start3A_31, %dma_start3A_32] : memref<10240x16xf32, #tpu.memory_space<hbm>> -> memref<10240x16xf32, #tpu.memory_space<hbm>>
    %dma_start3A_34 = tpu.memref_slice %arg12[%dma_start3A_23] : memref<8x!tpu.dma_semaphore, #tpu.memory_space<semaphore_mem>> -> memref<1x!tpu.dma_semaphore, #tpu.memory_space<semaphore_mem>>
    %dma_start3A_35 = tpu.memref_squeeze %dma_start3A_34 : memref<1x!tpu.dma_semaphore, #tpu.memory_space<semaphore_mem>> -> memref<!tpu.dma_semaphore, #tpu.memory_space<semaphore_mem>>
    tpu.enqueue_indirect_dma source(%dma_start3A_33 : memref<10240x16xf32, #tpu.memory_space<hbm>>) target(%dma_start3A_27 : memref<128x16xf32, #tpu.memory_space<vmem>>) offsets(%dma_start3A_30 : memref<128xi32, #tpu.memory_space<vmem>>) semaphore(%dma_start3A_35 : memref<!tpu.dma_semaphore, #tpu.memory_space<semaphore_mem>>)
    %dma_start3A_36 = arith.constant 2 : i32
    %dma_start3A_37 = arith.constant 2 : i32
    %dma_start3A_38 = arith.constant 2 : i32
    %dma_start3A_39 = arith.constant 0 : i32
    %dma_start3A_40 = arith.constant 0 : i32
    %dma_start3A_41 = tpu.memref_slice %arg9[%dma_start3A_37, %dma_start3A_39, %dma_start3A_40] : memref<8x128x16xf32, #tpu.memory_space<vmem>> -> memref<1x128x16xf32, #tpu.memory_space<vmem>>
    %dma_start3A_42 = tpu.memref_squeeze %dma_start3A_41 : memref<1x128x16xf32, #tpu.memory_space<vmem>> -> memref<128x16xf32, #tpu.memory_space<vmem>>
    %dma_start3A_43 = arith.constant 0 : i32
    %dma_start3A_44 = tpu.memref_slice %arg7[%dma_start3A_36, %dma_start3A_43] : memref<80x128xi32, #tpu.memory_space<vmem>> -> memref<1x128xi32, #tpu.memory_space<vmem>>
    %dma_start3A_45 = tpu.memref_squeeze %dma_start3A_44 : memref<1x128xi32, #tpu.memory_space<vmem>> -> memref<128xi32, #tpu.memory_space<vmem>>
    %dma_start3A_46 = arith.constant 0 : i32
    %dma_start3A_47 = arith.constant 0 : i32
    %dma_start3A_48 = tpu.memref_slice %arg2[%dma_start3A_46, %dma_start3A_47] : memref<10240x16xf32, #tpu.memory_space<hbm>> -> memref<10240x16xf32, #tpu.memory_space<hbm>>
    %dma_start3A_49 = tpu.memref_slice %arg12[%dma_start3A_38] : memref<8x!tpu.dma_semaphore, #tpu.memory_space<semaphore_mem>> -> memref<1x!tpu.dma_semaphore, #tpu.memory_space<semaphore_mem>>
    %dma_start3A_50 = tpu.memref_squeeze %dma_start3A_49 : memref<1x!tpu.dma_semaphore, #tpu.memory_space<semaphore_mem>> -> memref<!tpu.dma_semaphore, #tpu.memory_space<semaphore_mem>>
    tpu.enqueue_indirect_dma source(%dma_start3A_48 : memref<10240x16xf32, #tpu.memory_space<hbm>>) target(%dma_start3A_42 : memref<128x16xf32, #tpu.memory_space<vmem>>) offsets(%dma_start3A_45 : memref<128xi32, #tpu.memory_space<vmem>>) semaphore(%dma_start3A_50 : memref<!tpu.dma_semaphore, #tpu.memory_space<semaphore_mem>>)
    %dma_start3A_51 = arith.constant 3 : i32
    %dma_start3A_52 = arith.constant 3 : i32
    %dma_start3A_53 = arith.constant 3 : i32
    %dma_start3A_54 = arith.constant 0 : i32
    %dma_start3A_55 = arith.constant 0 : i32
    %dma_start3A_56 = tpu.memref_slice %arg9[%dma_start3A_52, %dma_start3A_54, %dma_start3A_55] : memref<8x128x16xf32, #tpu.memory_space<vmem>> -> memref<1x128x16xf32, #tpu.memory_space<vmem>>
    %dma_start3A_57 = tpu.memref_squeeze %dma_start3A_56 : memref<1x128x16xf32, #tpu.memory_space<vmem>> -> memref<128x16xf32, #tpu.memory_space<vmem>>
    %dma_start3A_58 = arith.constant 0 : i32
    %dma_start3A_59 = tpu.memref_slice %arg7[%dma_start3A_51, %dma_start3A_58] : memref<80x128xi32, #tpu.memory_space<vmem>> -> memref<1x128xi32, #tpu.memory_space<vmem>>
    %dma_start3A_60 = tpu.memref_squeeze %dma_start3A_59 : memref<1x128xi32, #tpu.memory_space<vmem>> -> memref<128xi32, #tpu.memory_space<vmem>>
    %dma_start3A_61 = arith.constant 0 : i32
    %dma_start3A_62 = arith.constant 0 : i32
    %dma_start3A_63 = tpu.memref_slice %arg2[%dma_start3A_61, %dma_start3A_62] : memref<10240x16xf32, #tpu.memory_space<hbm>> -> memref<10240x16xf32, #tpu.memory_space<hbm>>
    %dma_start3A_64 = tpu.memref_slice %arg12[%dma_start3A_53] : memref<8x!tpu.dma_semaphore, #tpu.memory_space<semaphore_mem>> -> memref<1x!tpu.dma_semaphore, #tpu.memory_space<semaphore_mem>>
    %dma_start3A_65 = tpu.memref_squeeze %dma_start3A_64 : memref<1x!tpu.dma_semaphore, #tpu.memory_space<semaphore_mem>> -> memref<!tpu.dma_semaphore, #tpu.memory_space<semaphore_mem>>
    tpu.enqueue_indirect_dma source(%dma_start3A_63 : memref<10240x16xf32, #tpu.memory_space<hbm>>) target(%dma_start3A_57 : memref<128x16xf32, #tpu.memory_space<vmem>>) offsets(%dma_start3A_60 : memref<128xi32, #tpu.memory_space<vmem>>) semaphore(%dma_start3A_65 : memref<!tpu.dma_semaphore, #tpu.memory_space<semaphore_mem>>)
    %dma_start3A_66 = arith.constant 4 : i32
    %dma_start3A_67 = arith.constant 4 : i32
    %dma_start3A_68 = arith.constant 4 : i32
    %dma_start3A_69 = arith.constant 0 : i32
    %dma_start3A_70 = arith.constant 0 : i32
    %dma_start3A_71 = tpu.memref_slice %arg9[%dma_start3A_67, %dma_start3A_69, %dma_start3A_70] : memref<8x128x16xf32, #tpu.memory_space<vmem>> -> memref<1x128x16xf32, #tpu.memory_space<vmem>>
    %dma_start3A_72 = tpu.memref_squeeze %dma_start3A_71 : memref<1x128x16xf32, #tpu.memory_space<vmem>> -> memref<128x16xf32, #tpu.memory_space<vmem>>
    %dma_start3A_73 = arith.constant 0 : i32
    %dma_start3A_74 = tpu.memref_slice %arg7[%dma_start3A_66, %dma_start3A_73] : memref<80x128xi32, #tpu.memory_space<vmem>> -> memref<1x128xi32, #tpu.memory_space<vmem>>
    %dma_start3A_75 = tpu.memref_squeeze %dma_start3A_74 : memref<1x128xi32, #tpu.memory_space<vmem>> -> memref<128xi32, #tpu.memory_space<vmem>>
    %dma_start3A_76 = arith.constant 0 : i32
    %dma_start3A_77 = arith.constant 0 : i32
    %dma_start3A_78 = tpu.memref_slice %arg2[%dma_start3A_76, %dma_start3A_77] : memref<10240x16xf32, #tpu.memory_space<hbm>> -> memref<10240x16xf32, #tpu.memory_space<hbm>>
    %dma_start3A_79 = tpu.memref_slice %arg12[%dma_start3A_68] : memref<8x!tpu.dma_semaphore, #tpu.memory_space<semaphore_mem>> -> memref<1x!tpu.dma_semaphore, #tpu.memory_space<semaphore_mem>>
    %dma_start3A_80 = tpu.memref_squeeze %dma_start3A_79 : memref<1x!tpu.dma_semaphore, #tpu.memory_space<semaphore_mem>> -> memref<!tpu.dma_semaphore, #tpu.memory_space<semaphore_mem>>
    tpu.enqueue_indirect_dma source(%dma_start3A_78 : memref<10240x16xf32, #tpu.memory_space<hbm>>) target(%dma_start3A_72 : memref<128x16xf32, #tpu.memory_space<vmem>>) offsets(%dma_start3A_75 : memref<128xi32, #tpu.memory_space<vmem>>) semaphore(%dma_start3A_80 : memref<!tpu.dma_semaphore, #tpu.memory_space<semaphore_mem>>)
    %dma_start3A_81 = arith.constant 5 : i32
    %dma_start3A_82 = arith.constant 5 : i32
    %dma_start3A_83 = arith.constant 5 : i32
    %dma_start3A_84 = arith.constant 0 : i32
    %dma_start3A_85 = arith.constant 0 : i32
    %dma_start3A_86 = tpu.memref_slice %arg9[%dma_start3A_82, %dma_start3A_84, %dma_start3A_85] : memref<8x128x16xf32, #tpu.memory_space<vmem>> -> memref<1x128x16xf32, #tpu.memory_space<vmem>>
    %dma_start3A_87 = tpu.memref_squeeze %dma_start3A_86 : memref<1x128x16xf32, #tpu.memory_space<vmem>> -> memref<128x16xf32, #tpu.memory_space<vmem>>
    %dma_start3A_88 = arith.constant 0 : i32
    %dma_start3A_89 = tpu.memref_slice %arg7[%dma_start3A_81, %dma_start3A_88] : memref<80x128xi32, #tpu.memory_space<vmem>> -> memref<1x128xi32, #tpu.memory_space<vmem>>
    %dma_start3A_90 = tpu.memref_squeeze %dma_start3A_89 : memref<1x128xi32, #tpu.memory_space<vmem>> -> memref<128xi32, #tpu.memory_space<vmem>>
    %dma_start3A_91 = arith.constant 0 : i32
    %dma_start3A_92 = arith.constant 0 : i32
    %dma_start3A_93 = tpu.memref_slice %arg2[%dma_start3A_91, %dma_start3A_92] : memref<10240x16xf32, #tpu.memory_space<hbm>> -> memref<10240x16xf32, #tpu.memory_space<hbm>>
    %dma_start3A_94 = tpu.memref_slice %arg12[%dma_start3A_83] : memref<8x!tpu.dma_semaphore, #tpu.memory_space<semaphore_mem>> -> memref<1x!tpu.dma_semaphore, #tpu.memory_space<semaphore_mem>>
    %dma_start3A_95 = tpu.memref_squeeze %dma_start3A_94 : memref<1x!tpu.dma_semaphore, #tpu.memory_space<semaphore_mem>> -> memref<!tpu.dma_semaphore, #tpu.memory_space<semaphore_mem>>
    tpu.enqueue_indirect_dma source(%dma_start3A_93 : memref<10240x16xf32, #tpu.memory_space<hbm>>) target(%dma_start3A_87 : memref<128x16xf32, #tpu.memory_space<vmem>>) offsets(%dma_start3A_90 : memref<128xi32, #tpu.memory_space<vmem>>) semaphore(%dma_start3A_95 : memref<!tpu.dma_semaphore, #tpu.memory_space<semaphore_mem>>)
    %dma_start3A_96 = arith.constant 6 : i32
    %dma_start3A_97 = arith.constant 6 : i32
    %dma_start3A_98 = arith.constant 6 : i32
    %dma_start3A_99 = arith.constant 0 : i32
    %dma_start3A_100 = arith.constant 0 : i32
    %dma_start3A_101 = tpu.memref_slice %arg9[%dma_start3A_97, %dma_start3A_99, %dma_start3A_100] : memref<8x128x16xf32, #tpu.memory_space<vmem>> -> memref<1x128x16xf32, #tpu.memory_space<vmem>>
    %dma_start3A_102 = tpu.memref_squeeze %dma_start3A_101 : memref<1x128x16xf32, #tpu.memory_space<vmem>> -> memref<128x16xf32, #tpu.memory_space<vmem>>
    %dma_start3A_103 = arith.constant 0 : i32
    %dma_start3A_104 = tpu.memref_slice %arg7[%dma_start3A_96, %dma_start3A_103] : memref<80x128xi32, #tpu.memory_space<vmem>> -> memref<1x128xi32, #tpu.memory_space<vmem>>
    %dma_start3A_105 = tpu.memref_squeeze %dma_start3A_104 : memref<1x128xi32, #tpu.memory_space<vmem>> -> memref<128xi32, #tpu.memory_space<vmem>>
    %dma_start3A_106 = arith.constant 0 : i32
    %dma_start3A_107 = arith.constant 0 : i32
    %dma_start3A_108 = tpu.memref_slice %arg2[%dma_start3A_106, %dma_start3A_107] : memref<10240x16xf32, #tpu.memory_space<hbm>> -> memref<10240x16xf32, #tpu.memory_space<hbm>>
    %dma_start3A_109 = tpu.memref_slice %arg12[%dma_start3A_98] : memref<8x!tpu.dma_semaphore, #tpu.memory_space<semaphore_mem>> -> memref<1x!tpu.dma_semaphore, #tpu.memory_space<semaphore_mem>>
    %dma_start3A_110 = tpu.memref_squeeze %dma_start3A_109 : memref<1x!tpu.dma_semaphore, #tpu.memory_space<semaphore_mem>> -> memref<!tpu.dma_semaphore, #tpu.memory_space<semaphore_mem>>
    tpu.enqueue_indirect_dma source(%dma_start3A_108 : memref<10240x16xf32, #tpu.memory_space<hbm>>) target(%dma_start3A_102 : memref<128x16xf32, #tpu.memory_space<vmem>>) offsets(%dma_start3A_105 : memref<128xi32, #tpu.memory_space<vmem>>) semaphore(%dma_start3A_110 : memref<!tpu.dma_semaphore, #tpu.memory_space<semaphore_mem>>)
    %scan3A = arith.constant 0 : i32
    %scan3A_111 = arith.constant 0 : i32
    %scan3A_112 = arith.constant 80 : i32
    %scan3A_113 = arith.addi %scan3A_111, %scan3A_112 : i32
    %scan3A_114 = arith.constant 1 : i32
    scf.for %scan3A_127 = %scan3A_111 to %scan3A_113 step %scan3A_114  : i32 {
      %rem3A = arith.constant 8 : i32
      %rem3A_128 = arith.remsi %scan3A_127, %rem3A : i32
      %dma_wait3A = arith.constant 0 : i32
      %dma_wait3A_129 = arith.constant 0 : i32
      %dma_wait3A_130 = tpu.memref_slice %arg9[%rem3A_128, %dma_wait3A, %dma_wait3A_129] : memref<8x128x16xf32, #tpu.memory_space<vmem>> -> memref<1x128x16xf32, #tpu.memory_space<vmem>>
      %dma_wait3A_131 = tpu.memref_squeeze %dma_wait3A_130 : memref<1x128x16xf32, #tpu.memory_space<vmem>> -> memref<128x16xf32, #tpu.memory_space<vmem>>
      %dma_wait3A_132 = arith.constant 0 : i32
      %dma_wait3A_133 = tpu.memref_slice %arg7[%scan3A_127, %dma_wait3A_132] : memref<80x128xi32, #tpu.memory_space<vmem>> -> memref<1x128xi32, #tpu.memory_space<vmem>>
      %dma_wait3A_134 = tpu.memref_squeeze %dma_wait3A_133 : memref<1x128xi32, #tpu.memory_space<vmem>> -> memref<128xi32, #tpu.memory_space<vmem>>
      %dma_wait3A_135 = arith.constant 0 : i32
      %dma_wait3A_136 = arith.constant 0 : i32
      %dma_wait3A_137 = tpu.memref_slice %arg2[%dma_wait3A_135, %dma_wait3A_136] : memref<10240x16xf32, #tpu.memory_space<hbm>> -> memref<10240x16xf32, #tpu.memory_space<hbm>>
      %dma_wait3A_138 = tpu.memref_slice %arg12[%rem3A_128] : memref<8x!tpu.dma_semaphore, #tpu.memory_space<semaphore_mem>> -> memref<1x!tpu.dma_semaphore, #tpu.memory_space<semaphore_mem>>
      %dma_wait3A_139 = tpu.memref_squeeze %dma_wait3A_138 : memref<1x!tpu.dma_semaphore, #tpu.memory_space<semaphore_mem>> -> memref<!tpu.dma_semaphore, #tpu.memory_space<semaphore_mem>>
      tpu.wait_indirect_dma semaphore(%dma_wait3A_139 : memref<!tpu.dma_semaphore, #tpu.memory_space<semaphore_mem>>) src(%dma_wait3A_137 : memref<10240x16xf32, #tpu.memory_space<hbm>>) dst(%dma_wait3A_131 : memref<128x16xf32, #tpu.memory_space<vmem>>)
      %dma_start3A_140 = arith.constant 0 : i32
      %dma_start3A_141 = arith.constant 0 : i32
      %dma_start3A_142 = tpu.memref_slice %arg9[%rem3A_128, %dma_start3A_140, %dma_start3A_141] : memref<8x128x16xf32, #tpu.memory_space<vmem>> -> memref<1x128x16xf32, #tpu.memory_space<vmem>>
      %dma_start3A_143 = tpu.memref_squeeze %dma_start3A_142 : memref<1x128x16xf32, #tpu.memory_space<vmem>> -> memref<128x16xf32, #tpu.memory_space<vmem>>
      %dma_start3A_144 = arith.constant 0 : i32
      %dma_start3A_145 = tpu.memref_slice %arg8[%scan3A_127, %dma_start3A_144] : memref<80x128xi32, #tpu.memory_space<vmem>> -> memref<1x128xi32, #tpu.memory_space<vmem>>
      %dma_start3A_146 = tpu.memref_squeeze %dma_start3A_145 : memref<1x128xi32, #tpu.memory_space<vmem>> -> memref<128xi32, #tpu.memory_space<vmem>>
      %dma_start3A_147 = arith.constant 0 : i32
      %dma_start3A_148 = arith.constant 0 : i32
      %dma_start3A_149 = tpu.memref_slice %arg11[%dma_start3A_147, %dma_start3A_148] : memref<10240x16xf32, #tpu.memory_space<vmem_shared>> -> memref<10240x16xf32, #tpu.memory_space<vmem_shared>>
      %dma_start3A_150 = tpu.memref_slice %arg13[%rem3A_128] : memref<8x!tpu.dma_semaphore, #tpu.memory_space<semaphore_mem>> -> memref<1x!tpu.dma_semaphore, #tpu.memory_space<semaphore_mem>>
      %dma_start3A_151 = tpu.memref_squeeze %dma_start3A_150 : memref<1x!tpu.dma_semaphore, #tpu.memory_space<semaphore_mem>> -> memref<!tpu.dma_semaphore, #tpu.memory_space<semaphore_mem>>
      tpu.enqueue_indirect_dma source(%dma_start3A_143 : memref<128x16xf32, #tpu.memory_space<vmem>>) target(%dma_start3A_149 : memref<10240x16xf32, #tpu.memory_space<vmem_shared>>) offsets(%dma_start3A_146 : memref<128xi32, #tpu.memory_space<vmem>>) semaphore(%dma_start3A_151 : memref<!tpu.dma_semaphore, #tpu.memory_space<semaphore_mem>>) {add = true}
      %add3A_152 = arith.constant 8 : i32
      %add3A_153 = arith.addi %scan3A_127, %add3A_152 : i32
      %sub3A = arith.constant 1 : i32
      %sub3A_154 = arith.subi %add3A_153, %sub3A : i32
      %lt3A = arith.constant 80 : i32
      %lt3A_155 = arith.cmpi slt, %sub3A_154, %lt3A : i32
      %convert_element_type3A = arith.extui %lt3A_155 : i1 to i32
      %cond3A = arith.constant 0 : i32
      %cond3A_156 = arith.cmpi ne, %convert_element_type3A, %cond3A : i32
      scf.if %cond3A_156 {
        %rem3A_157 = arith.constant 8 : i32
        %rem3A_158 = arith.remsi %sub3A_154, %rem3A_157 : i32
        %ge3A = arith.constant 1 : i32
        %ge3A_159 = arith.cmpi sge, %scan3A_127, %ge3A : i32
        %convert_element_type3A_160 = arith.extui %ge3A_159 : i1 to i32
        %cond3A_161 = arith.constant 0 : i32
        %cond3A_162 = arith.cmpi ne, %convert_element_type3A_160, %cond3A_161 : i32
        scf.if %cond3A_162 {
          %sub3A_175 = arith.constant 1 : i32
          %sub3A_176 = arith.subi %scan3A_127, %sub3A_175 : i32
          %dma_wait3A_177 = arith.constant 0 : i32
          %dma_wait3A_178 = arith.constant 0 : i32
          %dma_wait3A_179 = tpu.memref_slice %arg9[%rem3A_158, %dma_wait3A_177, %dma_wait3A_178] : memref<8x128x16xf32, #tpu.memory_space<vmem>> -> memref<1x128x16xf32, #tpu.memory_space<vmem>>
          %dma_wait3A_180 = tpu.memref_squeeze %dma_wait3A_179 : memref<1x128x16xf32, #tpu.memory_space<vmem>> -> memref<128x16xf32, #tpu.memory_space<vmem>>
          %dma_wait3A_181 = arith.constant 0 : i32
          %dma_wait3A_182 = tpu.memref_slice %arg8[%sub3A_176, %dma_wait3A_181] : memref<80x128xi32, #tpu.memory_space<vmem>> -> memref<1x128xi32, #tpu.memory_space<vmem>>
          %dma_wait3A_183 = tpu.memref_squeeze %dma_wait3A_182 : memref<1x128xi32, #tpu.memory_space<vmem>> -> memref<128xi32, #tpu.memory_space<vmem>>
          %dma_wait3A_184 = arith.constant 0 : i32
          %dma_wait3A_185 = arith.constant 0 : i32
          %dma_wait3A_186 = tpu.memref_slice %arg11[%dma_wait3A_184, %dma_wait3A_185] : memref<10240x16xf32, #tpu.memory_space<vmem_shared>> -> memref<10240x16xf32, #tpu.memory_space<vmem_shared>>
          %dma_wait3A_187 = tpu.memref_slice %arg13[%rem3A_158] : memref<8x!tpu.dma_semaphore, #tpu.memory_space<semaphore_mem>> -> memref<1x!tpu.dma_semaphore, #tpu.memory_space<semaphore_mem>>
          %dma_wait3A_188 = tpu.memref_squeeze %dma_wait3A_187 : memref<1x!tpu.dma_semaphore, #tpu.memory_space<semaphore_mem>> -> memref<!tpu.dma_semaphore, #tpu.memory_space<semaphore_mem>>
          tpu.wait_indirect_dma semaphore(%dma_wait3A_188 : memref<!tpu.dma_semaphore, #tpu.memory_space<semaphore_mem>>) src(%dma_wait3A_180 : memref<128x16xf32, #tpu.memory_space<vmem>>) dst(%dma_wait3A_186 : memref<10240x16xf32, #tpu.memory_space<vmem_shared>>)
        } else {
        }
        %dma_start3A_163 = arith.constant 0 : i32
        %dma_start3A_164 = arith.constant 0 : i32
        %dma_start3A_165 = tpu.memref_slice %arg9[%rem3A_158, %dma_start3A_163, %dma_start3A_164] : memref<8x128x16xf32, #tpu.memory_space<vmem>> -> memref<1x128x16xf32, #tpu.memory_space<vmem>>
        %dma_start3A_166 = tpu.memref_squeeze %dma_start3A_165 : memref<1x128x16xf32, #tpu.memory_space<vmem>> -> memref<128x16xf32, #tpu.memory_space<vmem>>
        %dma_start3A_167 = arith.constant 0 : i32
        %dma_start3A_168 = tpu.memref_slice %arg7[%sub3A_154, %dma_start3A_167] : memref<80x128xi32, #tpu.memory_space<vmem>> -> memref<1x128xi32, #tpu.memory_space<vmem>>
        %dma_start3A_169 = tpu.memref_squeeze %dma_start3A_168 : memref<1x128xi32, #tpu.memory_space<vmem>> -> memref<128xi32, #tpu.memory_space<vmem>>
        %dma_start3A_170 = arith.constant 0 : i32
        %dma_start3A_171 = arith.constant 0 : i32
        %dma_start3A_172 = tpu.memref_slice %arg2[%dma_start3A_170, %dma_start3A_171] : memref<10240x16xf32, #tpu.memory_space<hbm>> -> memref<10240x16xf32, #tpu.memory_space<hbm>>
        %dma_start3A_173 = tpu.memref_slice %arg12[%rem3A_158] : memref<8x!tpu.dma_semaphore, #tpu.memory_space<semaphore_mem>> -> memref<1x!tpu.dma_semaphore, #tpu.memory_space<semaphore_mem>>
        %dma_start3A_174 = tpu.memref_squeeze %dma_start3A_173 : memref<1x!tpu.dma_semaphore, #tpu.memory_space<semaphore_mem>> -> memref<!tpu.dma_semaphore, #tpu.memory_space<semaphore_mem>>
        tpu.enqueue_indirect_dma source(%dma_start3A_172 : memref<10240x16xf32, #tpu.memory_space<hbm>>) target(%dma_start3A_166 : memref<128x16xf32, #tpu.memory_space<vmem>>) offsets(%dma_start3A_169 : memref<128xi32, #tpu.memory_space<vmem>>) semaphore(%dma_start3A_174 : memref<!tpu.dma_semaphore, #tpu.memory_space<semaphore_mem>>)
      } else {
      }
    }
    %scan3A_115 = arith.constant 80 : i32
    %scan3A_116 = arith.constant 0 : i32
    %scan3A_117 = arith.constant 72 : i32
    %scan3A_118 = arith.constant 8 : i32
    %scan3A_119 = arith.addi %scan3A_117, %scan3A_118 : i32
    %scan3A_120 = arith.constant 1 : i32
    scf.for %scan3A_127 = %scan3A_117 to %scan3A_119 step %scan3A_120  : i32 {
      %rem3A = arith.constant 8 : i32
      %rem3A_128 = arith.remsi %scan3A_127, %rem3A : i32
      %dma_wait3A = arith.constant 0 : i32
      %dma_wait3A_129 = arith.constant 0 : i32
      %dma_wait3A_130 = tpu.memref_slice %arg9[%rem3A_128, %dma_wait3A, %dma_wait3A_129] : memref<8x128x16xf32, #tpu.memory_space<vmem>> -> memref<1x128x16xf32, #tpu.memory_space<vmem>>
      %dma_wait3A_131 = tpu.memref_squeeze %dma_wait3A_130 : memref<1x128x16xf32, #tpu.memory_space<vmem>> -> memref<128x16xf32, #tpu.memory_space<vmem>>
      %dma_wait3A_132 = arith.constant 0 : i32
      %dma_wait3A_133 = tpu.memref_slice %arg8[%scan3A_127, %dma_wait3A_132] : memref<80x128xi32, #tpu.memory_space<vmem>> -> memref<1x128xi32, #tpu.memory_space<vmem>>
      %dma_wait3A_134 = tpu.memref_squeeze %dma_wait3A_133 : memref<1x128xi32, #tpu.memory_space<vmem>> -> memref<128xi32, #tpu.memory_space<vmem>>
      %dma_wait3A_135 = arith.constant 0 : i32
      %dma_wait3A_136 = arith.constant 0 : i32
      %dma_wait3A_137 = tpu.memref_slice %arg11[%dma_wait3A_135, %dma_wait3A_136] : memref<10240x16xf32, #tpu.memory_space<vmem_shared>> -> memref<10240x16xf32, #tpu.memory_space<vmem_shared>>
      %dma_wait3A_138 = tpu.memref_slice %arg13[%rem3A_128] : memref<8x!tpu.dma_semaphore, #tpu.memory_space<semaphore_mem>> -> memref<1x!tpu.dma_semaphore, #tpu.memory_space<semaphore_mem>>
      %dma_wait3A_139 = tpu.memref_squeeze %dma_wait3A_138 : memref<1x!tpu.dma_semaphore, #tpu.memory_space<semaphore_mem>> -> memref<!tpu.dma_semaphore, #tpu.memory_space<semaphore_mem>>
      tpu.wait_indirect_dma semaphore(%dma_wait3A_139 : memref<!tpu.dma_semaphore, #tpu.memory_space<semaphore_mem>>) src(%dma_wait3A_131 : memref<128x16xf32, #tpu.memory_space<vmem>>) dst(%dma_wait3A_137 : memref<10240x16xf32, #tpu.memory_space<vmem_shared>>)
    }
    %scan3A_121 = arith.constant 8 : i32
    %barrier3A_122 = arith.constant 0 : index
    tpu.barrier barrier_id(%barrier3A_122)
    %mul3A_123 = arith.constant 640 : i32
    %mul3A_124 = arith.muli %arg1, %mul3A_123 : i32
    "tpu.region"() ({
      %run_scoped3A = tpu.sem_alloc : memref<!tpu.dma_semaphore, #tpu.memory_space<semaphore_mem>>
      %dma_start3A_127 = arith.constant 0 : i32
      %dma_start3A_128 = tpu.memref_slice %arg11[%mul3A_124, %dma_start3A_127] : memref<10240x16xf32, #tpu.memory_space<vmem_shared>> -> memref<640x16xf32, #tpu.memory_space<vmem_shared>>
      %dma_start3A_129 = arith.constant 0 : i32
      %dma_start3A_130 = tpu.memref_slice %arg11[%mul3A_124, %dma_start3A_129] : memref<10240x16xf32, #tpu.memory_space<vmem_shared>> -> memref<640x16xf32, #tpu.memory_space<vmem_shared>>
      tpu.enqueue_dma source(%dma_start3A_130 : memref<640x16xf32, #tpu.memory_space<vmem_shared>>) target(%arg10 : memref<640x16xf32, #tpu.memory_space<vmem>>) target_semaphore(%run_scoped3A : memref<!tpu.dma_semaphore, #tpu.memory_space<semaphore_mem>>)
      %dma_wait3A = arith.constant 0 : i32
      %dma_wait3A_131 = tpu.memref_slice %arg11[%mul3A_124, %dma_wait3A] : memref<10240x16xf32, #tpu.memory_space<vmem_shared>> -> memref<640x16xf32, #tpu.memory_space<vmem_shared>>
      %dma_wait3A_132 = arith.constant 0 : i32
      %dma_wait3A_133 = tpu.memref_slice %arg11[%mul3A_124, %dma_wait3A_132] : memref<10240x16xf32, #tpu.memory_space<vmem_shared>> -> memref<640x16xf32, #tpu.memory_space<vmem_shared>>
      tpu.wait_dma2 semaphore(%run_scoped3A : memref<!tpu.dma_semaphore, #tpu.memory_space<semaphore_mem>>) src(%dma_wait3A_133 : memref<640x16xf32, #tpu.memory_space<vmem_shared>>) dst(%arg10 : memref<640x16xf32, #tpu.memory_space<vmem>>)
      tpu.yield
    }) : () -> ()
    %mul3A_125 = arith.constant 640 : i32
    %mul3A_126 = arith.muli %arg1, %mul3A_125 : i32
    "tpu.region"() ({
      %run_scoped3A = tpu.sem_alloc : memref<!tpu.dma_semaphore, #tpu.memory_space<semaphore_mem>>
      %dma_start3A_127 = arith.constant 0 : i32
      %dma_start3A_128 = tpu.memref_slice %arg6[%arg0, %mul3A_126, %dma_start3A_127] : memref<2x10240x16xf32, #tpu.memory_space<hbm>> -> memref<1x640x16xf32, #tpu.memory_space<hbm>>
      %dma_start3A_129 = tpu.memref_squeeze %dma_start3A_128 : memref<1x640x16xf32, #tpu.memory_space<hbm>> -> memref<640x16xf32, #tpu.memory_space<hbm>>
      %dma_start3A_130 = arith.constant 0 : i32
      %dma_start3A_131 = tpu.memref_slice %arg6[%arg0, %mul3A_126, %dma_start3A_130] : memref<2x10240x16xf32, #tpu.memory_space<hbm>> -> memref<1x640x16xf32, #tpu.memory_space<hbm>>
      %dma_start3A_132 = tpu.memref_squeeze %dma_start3A_131 : memref<1x640x16xf32, #tpu.memory_space<hbm>> -> memref<640x16xf32, #tpu.memory_space<hbm>>
      tpu.enqueue_dma source(%arg10 : memref<640x16xf32, #tpu.memory_space<vmem>>) target(%dma_start3A_132 : memref<640x16xf32, #tpu.memory_space<hbm>>) target_semaphore(%run_scoped3A : memref<!tpu.dma_semaphore, #tpu.memory_space<semaphore_mem>>)
      %dma_wait3A = arith.constant 0 : i32
      %dma_wait3A_133 = tpu.memref_slice %arg6[%arg0, %mul3A_126, %dma_wait3A] : memref<2x10240x16xf32, #tpu.memory_space<hbm>> -> memref<1x640x16xf32, #tpu.memory_space<hbm>>
      %dma_wait3A_134 = tpu.memref_squeeze %dma_wait3A_133 : memref<1x640x16xf32, #tpu.memory_space<hbm>> -> memref<640x16xf32, #tpu.memory_space<hbm>>
      %dma_wait3A_135 = arith.constant 0 : i32
      %dma_wait3A_136 = tpu.memref_slice %arg6[%arg0, %mul3A_126, %dma_wait3A_135] : memref<2x10240x16xf32, #tpu.memory_space<hbm>> -> memref<1x640x16xf32, #tpu.memory_space<hbm>>
      %dma_wait3A_137 = tpu.memref_squeeze %dma_wait3A_136 : memref<1x640x16xf32, #tpu.memory_space<hbm>> -> memref<640x16xf32, #tpu.memory_space<hbm>>
      tpu.wait_dma2 semaphore(%run_scoped3A : memref<!tpu.dma_semaphore, #tpu.memory_space<semaphore_mem>>) src(%arg10 : memref<640x16xf32, #tpu.memory_space<vmem>>) dst(%dma_wait3A_137 : memref<640x16xf32, #tpu.memory_space<hbm>>)
      tpu.yield
    }) : () -> ()
    return
  }
}

#map = affine_map<(d0, d1) -> (0, 0)>
#map1 = affine_map<(d0, d1) -> (0)>
module attributes {stable_mosaic.version = 14 : i64} {
  func.func @_deg_kernel(%arg0: i32, %arg1: i32, %arg2: memref<2x320000xi32, #tpu.memory_space<hbm>>, %arg3: memref<128xf32, #tpu.memory_space<hbm>>, %arg4: memref<10240xf32, #tpu.memory_space<hbm>>, %arg5: memref<20480xf32, #tpu.memory_space<hbm>>, %arg6: memref<8x2x128xi32, #tpu.memory_space<vmem>>, %arg7: memref<128xf32, #tpu.memory_space<vmem>>, %arg8: memref<10240xf32, #tpu.memory_space<vmem>>, %arg9: memref<10240xf32, #tpu.memory_space<vmem_shared>>, %arg10: memref<8x!tpu.dma_semaphore, #tpu.memory_space<semaphore_mem>>, %arg11: memref<8x!tpu.dma_semaphore, #tpu.memory_space<semaphore_mem>>) attributes {dimension_semantics = [#tpu.dimension_semantics<core_parallel>, #tpu.dimension_semantics<subcore_parallel>], iteration_bounds = array<i64: 2, 16>, scalar_prefetch = 0 : i64, scratch_operands = 6 : i64, tpu.core_type = #tpu.core_type<sc_vector_subcore>, window_params = [{transform_indices = #map}, {transform_indices = #map1}, {transform_indices = #map1}, {transform_indices = #map1}]} {
    %mul3A = arith.constant 2 : i32
    %mul3A_0 = arith.muli %arg1, %mul3A : i32
    %add3A = arith.addi %mul3A_0, %arg0 : i32
    "tpu.region"() ({
      %run_scoped3A = tpu.sem_alloc : memref<!tpu.dma_semaphore, #tpu.memory_space<semaphore_mem>>
      tpu.enqueue_dma source(%arg3 : memref<128xf32, #tpu.memory_space<hbm>>) target(%arg7 : memref<128xf32, #tpu.memory_space<vmem>>) target_semaphore(%run_scoped3A : memref<!tpu.dma_semaphore, #tpu.memory_space<semaphore_mem>>)
      tpu.wait_dma2 semaphore(%run_scoped3A : memref<!tpu.dma_semaphore, #tpu.memory_space<semaphore_mem>>) src(%arg3 : memref<128xf32, #tpu.memory_space<hbm>>) dst(%arg7 : memref<128xf32, #tpu.memory_space<vmem>>)
      tpu.yield
    }) : () -> ()
    %eq3A = arith.constant 0 : i32
    %eq3A_1 = arith.cmpi eq, %arg1, %eq3A : i32
    %convert_element_type3A = arith.extui %eq3A_1 : i1 to i32
    %cond3A = arith.constant 0 : i32
    %cond3A_2 = arith.cmpi ne, %convert_element_type3A, %cond3A : i32
    scf.if %cond3A_2 {
      "tpu.region"() ({
        %run_scoped3A = tpu.sem_alloc : memref<!tpu.dma_semaphore, #tpu.memory_space<semaphore_mem>>
        tpu.enqueue_dma source(%arg4 : memref<10240xf32, #tpu.memory_space<hbm>>) target(%arg8 : memref<10240xf32, #tpu.memory_space<vmem>>) target_semaphore(%run_scoped3A : memref<!tpu.dma_semaphore, #tpu.memory_space<semaphore_mem>>)
        tpu.wait_dma2 semaphore(%run_scoped3A : memref<!tpu.dma_semaphore, #tpu.memory_space<semaphore_mem>>) src(%arg4 : memref<10240xf32, #tpu.memory_space<hbm>>) dst(%arg8 : memref<10240xf32, #tpu.memory_space<vmem>>)
        tpu.yield
      }) : () -> ()
      "tpu.region"() ({
        %run_scoped3A = tpu.sem_alloc : memref<!tpu.dma_semaphore, #tpu.memory_space<semaphore_mem>>
        tpu.enqueue_dma source(%arg8 : memref<10240xf32, #tpu.memory_space<vmem>>) target(%arg9 : memref<10240xf32, #tpu.memory_space<vmem_shared>>) target_semaphore(%run_scoped3A : memref<!tpu.dma_semaphore, #tpu.memory_space<semaphore_mem>>)
        tpu.wait_dma2 semaphore(%run_scoped3A : memref<!tpu.dma_semaphore, #tpu.memory_space<semaphore_mem>>) src(%arg8 : memref<10240xf32, #tpu.memory_space<vmem>>) dst(%arg9 : memref<10240xf32, #tpu.memory_space<vmem_shared>>)
        tpu.yield
      }) : () -> ()
    } else {
    }
    %barrier3A = arith.constant 0 : index
    tpu.barrier barrier_id(%barrier3A)
    %mul3A_3 = arith.constant 78 : i32
    %mul3A_4 = arith.muli %mul3A_3, %add3A : i32
    %min3A = arith.constant 4 : i32
    %min3A_5 = arith.minsi %add3A, %min3A : i32
    %add3A_6 = arith.addi %mul3A_4, %min3A_5 : i32
    %lt3A = arith.constant 4 : i32
    %lt3A_7 = arith.cmpi slt, %add3A, %lt3A : i32
    %jit3A = arith.constant 79 : i32
    %jit3A_8 = arith.constant 78 : i32
    %select_n3A = arith.select %lt3A_7, %jit3A, %jit3A_8 : i32
    %gt3A = arith.constant 0 : i32
    %gt3A_9 = arith.cmpi sgt, %select_n3A, %gt3A : i32
    %convert_element_type3A_10 = arith.extui %gt3A_9 : i1 to i32
    %cond3A_11 = arith.constant 0 : i32
    %cond3A_12 = arith.cmpi ne, %convert_element_type3A_10, %cond3A_11 : i32
    scf.if %cond3A_12 {
      %add3A_68 = arith.constant 0 : i32
      %add3A_69 = arith.addi %add3A_6, %add3A_68 : i32
      %mul3A_70 = arith.constant 128 : i32
      %mul3A_71 = arith.muli %add3A_69, %mul3A_70 : i32
      %dma_start3A = arith.constant 0 : i32
      %dma_start3A_72 = arith.constant 0 : i32
      %dma_start3A_73 = arith.constant 0 : i32
      %dma_start3A_74 = arith.constant 0 : i32
      %dma_start3A_75 = tpu.memref_slice %arg6[%dma_start3A, %dma_start3A_73, %dma_start3A_74] : memref<8x2x128xi32, #tpu.memory_space<vmem>> -> memref<1x2x128xi32, #tpu.memory_space<vmem>>
      %dma_start3A_76 = tpu.memref_squeeze %dma_start3A_75 : memref<1x2x128xi32, #tpu.memory_space<vmem>> -> memref<2x128xi32, #tpu.memory_space<vmem>>
      %dma_start3A_77 = arith.constant 0 : i32
      %dma_start3A_78 = tpu.memref_slice %arg2[%dma_start3A_77, %mul3A_71] : memref<2x320000xi32, #tpu.memory_space<hbm>> -> memref<2x128xi32, #tpu.memory_space<hbm>>
      %dma_start3A_79 = tpu.memref_slice %arg10[%dma_start3A_72] : memref<8x!tpu.dma_semaphore, #tpu.memory_space<semaphore_mem>> -> memref<1x!tpu.dma_semaphore, #tpu.memory_space<semaphore_mem>>
      %dma_start3A_80 = tpu.memref_squeeze %dma_start3A_79 : memref<1x!tpu.dma_semaphore, #tpu.memory_space<semaphore_mem>> -> memref<!tpu.dma_semaphore, #tpu.memory_space<semaphore_mem>>
      %dma_start3A_81 = arith.constant 0 : i32
      %dma_start3A_82 = arith.constant 0 : i32
      %dma_start3A_83 = tpu.memref_slice %arg6[%dma_start3A, %dma_start3A_81, %dma_start3A_82] : memref<8x2x128xi32, #tpu.memory_space<vmem>> -> memref<1x2x128xi32, #tpu.memory_space<vmem>>
      %dma_start3A_84 = tpu.memref_squeeze %dma_start3A_83 : memref<1x2x128xi32, #tpu.memory_space<vmem>> -> memref<2x128xi32, #tpu.memory_space<vmem>>
      %dma_start3A_85 = arith.constant 0 : i32
      %dma_start3A_86 = tpu.memref_slice %arg2[%dma_start3A_85, %mul3A_71] : memref<2x320000xi32, #tpu.memory_space<hbm>> -> memref<2x128xi32, #tpu.memory_space<hbm>>
      tpu.enqueue_dma source(%dma_start3A_86 : memref<2x128xi32, #tpu.memory_space<hbm>>) target(%dma_start3A_84 : memref<2x128xi32, #tpu.memory_space<vmem>>) target_semaphore(%dma_start3A_80 : memref<!tpu.dma_semaphore, #tpu.memory_space<semaphore_mem>>)
    } else {
    }
    %gt3A_13 = arith.constant 1 : i32
    %gt3A_14 = arith.cmpi sgt, %select_n3A, %gt3A_13 : i32
    %convert_element_type3A_15 = arith.extui %gt3A_14 : i1 to i32
    %cond3A_16 = arith.constant 0 : i32
    %cond3A_17 = arith.cmpi ne, %convert_element_type3A_15, %cond3A_16 : i32
    scf.if %cond3A_17 {
      %add3A_68 = arith.constant 1 : i32
      %add3A_69 = arith.addi %add3A_6, %add3A_68 : i32
      %mul3A_70 = arith.constant 128 : i32
      %mul3A_71 = arith.muli %add3A_69, %mul3A_70 : i32
      %dma_start3A = arith.constant 1 : i32
      %dma_start3A_72 = arith.constant 1 : i32
      %dma_start3A_73 = arith.constant 0 : i32
      %dma_start3A_74 = arith.constant 0 : i32
      %dma_start3A_75 = tpu.memref_slice %arg6[%dma_start3A, %dma_start3A_73, %dma_start3A_74] : memref<8x2x128xi32, #tpu.memory_space<vmem>> -> memref<1x2x128xi32, #tpu.memory_space<vmem>>
      %dma_start3A_76 = tpu.memref_squeeze %dma_start3A_75 : memref<1x2x128xi32, #tpu.memory_space<vmem>> -> memref<2x128xi32, #tpu.memory_space<vmem>>
      %dma_start3A_77 = arith.constant 0 : i32
      %dma_start3A_78 = tpu.memref_slice %arg2[%dma_start3A_77, %mul3A_71] : memref<2x320000xi32, #tpu.memory_space<hbm>> -> memref<2x128xi32, #tpu.memory_space<hbm>>
      %dma_start3A_79 = tpu.memref_slice %arg10[%dma_start3A_72] : memref<8x!tpu.dma_semaphore, #tpu.memory_space<semaphore_mem>> -> memref<1x!tpu.dma_semaphore, #tpu.memory_space<semaphore_mem>>
      %dma_start3A_80 = tpu.memref_squeeze %dma_start3A_79 : memref<1x!tpu.dma_semaphore, #tpu.memory_space<semaphore_mem>> -> memref<!tpu.dma_semaphore, #tpu.memory_space<semaphore_mem>>
      %dma_start3A_81 = arith.constant 0 : i32
      %dma_start3A_82 = arith.constant 0 : i32
      %dma_start3A_83 = tpu.memref_slice %arg6[%dma_start3A, %dma_start3A_81, %dma_start3A_82] : memref<8x2x128xi32, #tpu.memory_space<vmem>> -> memref<1x2x128xi32, #tpu.memory_space<vmem>>
      %dma_start3A_84 = tpu.memref_squeeze %dma_start3A_83 : memref<1x2x128xi32, #tpu.memory_space<vmem>> -> memref<2x128xi32, #tpu.memory_space<vmem>>
      %dma_start3A_85 = arith.constant 0 : i32
      %dma_start3A_86 = tpu.memref_slice %arg2[%dma_start3A_85, %mul3A_71] : memref<2x320000xi32, #tpu.memory_space<hbm>> -> memref<2x128xi32, #tpu.memory_space<hbm>>
      tpu.enqueue_dma source(%dma_start3A_86 : memref<2x128xi32, #tpu.memory_space<hbm>>) target(%dma_start3A_84 : memref<2x128xi32, #tpu.memory_space<vmem>>) target_semaphore(%dma_start3A_80 : memref<!tpu.dma_semaphore, #tpu.memory_space<semaphore_mem>>)
    } else {
    }
    %gt3A_18 = arith.constant 2 : i32
    %gt3A_19 = arith.cmpi sgt, %select_n3A, %gt3A_18 : i32
    %convert_element_type3A_20 = arith.extui %gt3A_19 : i1 to i32
    %cond3A_21 = arith.constant 0 : i32
    %cond3A_22 = arith.cmpi ne, %convert_element_type3A_20, %cond3A_21 : i32
    scf.if %cond3A_22 {
      %add3A_68 = arith.constant 2 : i32
      %add3A_69 = arith.addi %add3A_6, %add3A_68 : i32
      %mul3A_70 = arith.constant 128 : i32
      %mul3A_71 = arith.muli %add3A_69, %mul3A_70 : i32
      %dma_start3A = arith.constant 2 : i32
      %dma_start3A_72 = arith.constant 2 : i32
      %dma_start3A_73 = arith.constant 0 : i32
      %dma_start3A_74 = arith.constant 0 : i32
      %dma_start3A_75 = tpu.memref_slice %arg6[%dma_start3A, %dma_start3A_73, %dma_start3A_74] : memref<8x2x128xi32, #tpu.memory_space<vmem>> -> memref<1x2x128xi32, #tpu.memory_space<vmem>>
      %dma_start3A_76 = tpu.memref_squeeze %dma_start3A_75 : memref<1x2x128xi32, #tpu.memory_space<vmem>> -> memref<2x128xi32, #tpu.memory_space<vmem>>
      %dma_start3A_77 = arith.constant 0 : i32
      %dma_start3A_78 = tpu.memref_slice %arg2[%dma_start3A_77, %mul3A_71] : memref<2x320000xi32, #tpu.memory_space<hbm>> -> memref<2x128xi32, #tpu.memory_space<hbm>>
      %dma_start3A_79 = tpu.memref_slice %arg10[%dma_start3A_72] : memref<8x!tpu.dma_semaphore, #tpu.memory_space<semaphore_mem>> -> memref<1x!tpu.dma_semaphore, #tpu.memory_space<semaphore_mem>>
      %dma_start3A_80 = tpu.memref_squeeze %dma_start3A_79 : memref<1x!tpu.dma_semaphore, #tpu.memory_space<semaphore_mem>> -> memref<!tpu.dma_semaphore, #tpu.memory_space<semaphore_mem>>
      %dma_start3A_81 = arith.constant 0 : i32
      %dma_start3A_82 = arith.constant 0 : i32
      %dma_start3A_83 = tpu.memref_slice %arg6[%dma_start3A, %dma_start3A_81, %dma_start3A_82] : memref<8x2x128xi32, #tpu.memory_space<vmem>> -> memref<1x2x128xi32, #tpu.memory_space<vmem>>
      %dma_start3A_84 = tpu.memref_squeeze %dma_start3A_83 : memref<1x2x128xi32, #tpu.memory_space<vmem>> -> memref<2x128xi32, #tpu.memory_space<vmem>>
      %dma_start3A_85 = arith.constant 0 : i32
      %dma_start3A_86 = tpu.memref_slice %arg2[%dma_start3A_85, %mul3A_71] : memref<2x320000xi32, #tpu.memory_space<hbm>> -> memref<2x128xi32, #tpu.memory_space<hbm>>
      tpu.enqueue_dma source(%dma_start3A_86 : memref<2x128xi32, #tpu.memory_space<hbm>>) target(%dma_start3A_84 : memref<2x128xi32, #tpu.memory_space<vmem>>) target_semaphore(%dma_start3A_80 : memref<!tpu.dma_semaphore, #tpu.memory_space<semaphore_mem>>)
    } else {
    }
    %gt3A_23 = arith.constant 3 : i32
    %gt3A_24 = arith.cmpi sgt, %select_n3A, %gt3A_23 : i32
    %convert_element_type3A_25 = arith.extui %gt3A_24 : i1 to i32
    %cond3A_26 = arith.constant 0 : i32
    %cond3A_27 = arith.cmpi ne, %convert_element_type3A_25, %cond3A_26 : i32
    scf.if %cond3A_27 {
      %add3A_68 = arith.constant 3 : i32
      %add3A_69 = arith.addi %add3A_6, %add3A_68 : i32
      %mul3A_70 = arith.constant 128 : i32
      %mul3A_71 = arith.muli %add3A_69, %mul3A_70 : i32
      %dma_start3A = arith.constant 3 : i32
      %dma_start3A_72 = arith.constant 3 : i32
      %dma_start3A_73 = arith.constant 0 : i32
      %dma_start3A_74 = arith.constant 0 : i32
      %dma_start3A_75 = tpu.memref_slice %arg6[%dma_start3A, %dma_start3A_73, %dma_start3A_74] : memref<8x2x128xi32, #tpu.memory_space<vmem>> -> memref<1x2x128xi32, #tpu.memory_space<vmem>>
      %dma_start3A_76 = tpu.memref_squeeze %dma_start3A_75 : memref<1x2x128xi32, #tpu.memory_space<vmem>> -> memref<2x128xi32, #tpu.memory_space<vmem>>
      %dma_start3A_77 = arith.constant 0 : i32
      %dma_start3A_78 = tpu.memref_slice %arg2[%dma_start3A_77, %mul3A_71] : memref<2x320000xi32, #tpu.memory_space<hbm>> -> memref<2x128xi32, #tpu.memory_space<hbm>>
      %dma_start3A_79 = tpu.memref_slice %arg10[%dma_start3A_72] : memref<8x!tpu.dma_semaphore, #tpu.memory_space<semaphore_mem>> -> memref<1x!tpu.dma_semaphore, #tpu.memory_space<semaphore_mem>>
      %dma_start3A_80 = tpu.memref_squeeze %dma_start3A_79 : memref<1x!tpu.dma_semaphore, #tpu.memory_space<semaphore_mem>> -> memref<!tpu.dma_semaphore, #tpu.memory_space<semaphore_mem>>
      %dma_start3A_81 = arith.constant 0 : i32
      %dma_start3A_82 = arith.constant 0 : i32
      %dma_start3A_83 = tpu.memref_slice %arg6[%dma_start3A, %dma_start3A_81, %dma_start3A_82] : memref<8x2x128xi32, #tpu.memory_space<vmem>> -> memref<1x2x128xi32, #tpu.memory_space<vmem>>
      %dma_start3A_84 = tpu.memref_squeeze %dma_start3A_83 : memref<1x2x128xi32, #tpu.memory_space<vmem>> -> memref<2x128xi32, #tpu.memory_space<vmem>>
      %dma_start3A_85 = arith.constant 0 : i32
      %dma_start3A_86 = tpu.memref_slice %arg2[%dma_start3A_85, %mul3A_71] : memref<2x320000xi32, #tpu.memory_space<hbm>> -> memref<2x128xi32, #tpu.memory_space<hbm>>
      tpu.enqueue_dma source(%dma_start3A_86 : memref<2x128xi32, #tpu.memory_space<hbm>>) target(%dma_start3A_84 : memref<2x128xi32, #tpu.memory_space<vmem>>) target_semaphore(%dma_start3A_80 : memref<!tpu.dma_semaphore, #tpu.memory_space<semaphore_mem>>)
    } else {
    }
    %gt3A_28 = arith.constant 4 : i32
    %gt3A_29 = arith.cmpi sgt, %select_n3A, %gt3A_28 : i32
    %convert_element_type3A_30 = arith.extui %gt3A_29 : i1 to i32
    %cond3A_31 = arith.constant 0 : i32
    %cond3A_32 = arith.cmpi ne, %convert_element_type3A_30, %cond3A_31 : i32
    scf.if %cond3A_32 {
      %add3A_68 = arith.constant 4 : i32
      %add3A_69 = arith.addi %add3A_6, %add3A_68 : i32
      %mul3A_70 = arith.constant 128 : i32
      %mul3A_71 = arith.muli %add3A_69, %mul3A_70 : i32
      %dma_start3A = arith.constant 4 : i32
      %dma_start3A_72 = arith.constant 4 : i32
      %dma_start3A_73 = arith.constant 0 : i32
      %dma_start3A_74 = arith.constant 0 : i32
      %dma_start3A_75 = tpu.memref_slice %arg6[%dma_start3A, %dma_start3A_73, %dma_start3A_74] : memref<8x2x128xi32, #tpu.memory_space<vmem>> -> memref<1x2x128xi32, #tpu.memory_space<vmem>>
      %dma_start3A_76 = tpu.memref_squeeze %dma_start3A_75 : memref<1x2x128xi32, #tpu.memory_space<vmem>> -> memref<2x128xi32, #tpu.memory_space<vmem>>
      %dma_start3A_77 = arith.constant 0 : i32
      %dma_start3A_78 = tpu.memref_slice %arg2[%dma_start3A_77, %mul3A_71] : memref<2x320000xi32, #tpu.memory_space<hbm>> -> memref<2x128xi32, #tpu.memory_space<hbm>>
      %dma_start3A_79 = tpu.memref_slice %arg10[%dma_start3A_72] : memref<8x!tpu.dma_semaphore, #tpu.memory_space<semaphore_mem>> -> memref<1x!tpu.dma_semaphore, #tpu.memory_space<semaphore_mem>>
      %dma_start3A_80 = tpu.memref_squeeze %dma_start3A_79 : memref<1x!tpu.dma_semaphore, #tpu.memory_space<semaphore_mem>> -> memref<!tpu.dma_semaphore, #tpu.memory_space<semaphore_mem>>
      %dma_start3A_81 = arith.constant 0 : i32
      %dma_start3A_82 = arith.constant 0 : i32
      %dma_start3A_83 = tpu.memref_slice %arg6[%dma_start3A, %dma_start3A_81, %dma_start3A_82] : memref<8x2x128xi32, #tpu.memory_space<vmem>> -> memref<1x2x128xi32, #tpu.memory_space<vmem>>
      %dma_start3A_84 = tpu.memref_squeeze %dma_start3A_83 : memref<1x2x128xi32, #tpu.memory_space<vmem>> -> memref<2x128xi32, #tpu.memory_space<vmem>>
      %dma_start3A_85 = arith.constant 0 : i32
      %dma_start3A_86 = tpu.memref_slice %arg2[%dma_start3A_85, %mul3A_71] : memref<2x320000xi32, #tpu.memory_space<hbm>> -> memref<2x128xi32, #tpu.memory_space<hbm>>
      tpu.enqueue_dma source(%dma_start3A_86 : memref<2x128xi32, #tpu.memory_space<hbm>>) target(%dma_start3A_84 : memref<2x128xi32, #tpu.memory_space<vmem>>) target_semaphore(%dma_start3A_80 : memref<!tpu.dma_semaphore, #tpu.memory_space<semaphore_mem>>)
    } else {
    }
    %gt3A_33 = arith.constant 5 : i32
    %gt3A_34 = arith.cmpi sgt, %select_n3A, %gt3A_33 : i32
    %convert_element_type3A_35 = arith.extui %gt3A_34 : i1 to i32
    %cond3A_36 = arith.constant 0 : i32
    %cond3A_37 = arith.cmpi ne, %convert_element_type3A_35, %cond3A_36 : i32
    scf.if %cond3A_37 {
      %add3A_68 = arith.constant 5 : i32
      %add3A_69 = arith.addi %add3A_6, %add3A_68 : i32
      %mul3A_70 = arith.constant 128 : i32
      %mul3A_71 = arith.muli %add3A_69, %mul3A_70 : i32
      %dma_start3A = arith.constant 5 : i32
      %dma_start3A_72 = arith.constant 5 : i32
      %dma_start3A_73 = arith.constant 0 : i32
      %dma_start3A_74 = arith.constant 0 : i32
      %dma_start3A_75 = tpu.memref_slice %arg6[%dma_start3A, %dma_start3A_73, %dma_start3A_74] : memref<8x2x128xi32, #tpu.memory_space<vmem>> -> memref<1x2x128xi32, #tpu.memory_space<vmem>>
      %dma_start3A_76 = tpu.memref_squeeze %dma_start3A_75 : memref<1x2x128xi32, #tpu.memory_space<vmem>> -> memref<2x128xi32, #tpu.memory_space<vmem>>
      %dma_start3A_77 = arith.constant 0 : i32
      %dma_start3A_78 = tpu.memref_slice %arg2[%dma_start3A_77, %mul3A_71] : memref<2x320000xi32, #tpu.memory_space<hbm>> -> memref<2x128xi32, #tpu.memory_space<hbm>>
      %dma_start3A_79 = tpu.memref_slice %arg10[%dma_start3A_72] : memref<8x!tpu.dma_semaphore, #tpu.memory_space<semaphore_mem>> -> memref<1x!tpu.dma_semaphore, #tpu.memory_space<semaphore_mem>>
      %dma_start3A_80 = tpu.memref_squeeze %dma_start3A_79 : memref<1x!tpu.dma_semaphore, #tpu.memory_space<semaphore_mem>> -> memref<!tpu.dma_semaphore, #tpu.memory_space<semaphore_mem>>
      %dma_start3A_81 = arith.constant 0 : i32
      %dma_start3A_82 = arith.constant 0 : i32
      %dma_start3A_83 = tpu.memref_slice %arg6[%dma_start3A, %dma_start3A_81, %dma_start3A_82] : memref<8x2x128xi32, #tpu.memory_space<vmem>> -> memref<1x2x128xi32, #tpu.memory_space<vmem>>
      %dma_start3A_84 = tpu.memref_squeeze %dma_start3A_83 : memref<1x2x128xi32, #tpu.memory_space<vmem>> -> memref<2x128xi32, #tpu.memory_space<vmem>>
      %dma_start3A_85 = arith.constant 0 : i32
      %dma_start3A_86 = tpu.memref_slice %arg2[%dma_start3A_85, %mul3A_71] : memref<2x320000xi32, #tpu.memory_space<hbm>> -> memref<2x128xi32, #tpu.memory_space<hbm>>
      tpu.enqueue_dma source(%dma_start3A_86 : memref<2x128xi32, #tpu.memory_space<hbm>>) target(%dma_start3A_84 : memref<2x128xi32, #tpu.memory_space<vmem>>) target_semaphore(%dma_start3A_80 : memref<!tpu.dma_semaphore, #tpu.memory_space<semaphore_mem>>)
    } else {
    }
    %gt3A_38 = arith.constant 6 : i32
    %gt3A_39 = arith.cmpi sgt, %select_n3A, %gt3A_38 : i32
    %convert_element_type3A_40 = arith.extui %gt3A_39 : i1 to i32
    %cond3A_41 = arith.constant 0 : i32
    %cond3A_42 = arith.cmpi ne, %convert_element_type3A_40, %cond3A_41 : i32
    scf.if %cond3A_42 {
      %add3A_68 = arith.constant 6 : i32
      %add3A_69 = arith.addi %add3A_6, %add3A_68 : i32
      %mul3A_70 = arith.constant 128 : i32
      %mul3A_71 = arith.muli %add3A_69, %mul3A_70 : i32
      %dma_start3A = arith.constant 6 : i32
      %dma_start3A_72 = arith.constant 6 : i32
      %dma_start3A_73 = arith.constant 0 : i32
      %dma_start3A_74 = arith.constant 0 : i32
      %dma_start3A_75 = tpu.memref_slice %arg6[%dma_start3A, %dma_start3A_73, %dma_start3A_74] : memref<8x2x128xi32, #tpu.memory_space<vmem>> -> memref<1x2x128xi32, #tpu.memory_space<vmem>>
      %dma_start3A_76 = tpu.memref_squeeze %dma_start3A_75 : memref<1x2x128xi32, #tpu.memory_space<vmem>> -> memref<2x128xi32, #tpu.memory_space<vmem>>
      %dma_start3A_77 = arith.constant 0 : i32
      %dma_start3A_78 = tpu.memref_slice %arg2[%dma_start3A_77, %mul3A_71] : memref<2x320000xi32, #tpu.memory_space<hbm>> -> memref<2x128xi32, #tpu.memory_space<hbm>>
      %dma_start3A_79 = tpu.memref_slice %arg10[%dma_start3A_72] : memref<8x!tpu.dma_semaphore, #tpu.memory_space<semaphore_mem>> -> memref<1x!tpu.dma_semaphore, #tpu.memory_space<semaphore_mem>>
      %dma_start3A_80 = tpu.memref_squeeze %dma_start3A_79 : memref<1x!tpu.dma_semaphore, #tpu.memory_space<semaphore_mem>> -> memref<!tpu.dma_semaphore, #tpu.memory_space<semaphore_mem>>
      %dma_start3A_81 = arith.constant 0 : i32
      %dma_start3A_82 = arith.constant 0 : i32
      %dma_start3A_83 = tpu.memref_slice %arg6[%dma_start3A, %dma_start3A_81, %dma_start3A_82] : memref<8x2x128xi32, #tpu.memory_space<vmem>> -> memref<1x2x128xi32, #tpu.memory_space<vmem>>
      %dma_start3A_84 = tpu.memref_squeeze %dma_start3A_83 : memref<1x2x128xi32, #tpu.memory_space<vmem>> -> memref<2x128xi32, #tpu.memory_space<vmem>>
      %dma_start3A_85 = arith.constant 0 : i32
      %dma_start3A_86 = tpu.memref_slice %arg2[%dma_start3A_85, %mul3A_71] : memref<2x320000xi32, #tpu.memory_space<hbm>> -> memref<2x128xi32, #tpu.memory_space<hbm>>
      tpu.enqueue_dma source(%dma_start3A_86 : memref<2x128xi32, #tpu.memory_space<hbm>>) target(%dma_start3A_84 : memref<2x128xi32, #tpu.memory_space<vmem>>) target_semaphore(%dma_start3A_80 : memref<!tpu.dma_semaphore, #tpu.memory_space<semaphore_mem>>)
    } else {
    }
    %while3A = arith.constant 0 : i32
    %while3A_43 = arith.constant 0 : i32
    %while3A_44 = arith.subi %select_n3A, %while3A_43 : i32
    %while3A_45 = arith.addi %while3A_43, %while3A_44 : i32
    %while3A_46 = arith.constant 1 : i32
    %while3A_47 = arith.divsi %while3A_44, %while3A_46 : i32
    %while3A_48 = arith.muli %while3A_47, %while3A_46 : i32
    %while3A_49 = arith.addi %while3A_43, %while3A_48 : i32
    %while3A_50 = arith.constant 1 : i32
    scf.for %while3A_68 = %while3A_43 to %while3A_49 step %while3A_50  : i32 {
      %rem3A = arith.constant 8 : i32
      %rem3A_69 = arith.remsi %while3A_68, %rem3A : i32
      %add3A_70 = arith.addi %add3A_6, %while3A_68 : i32
      %mul3A_71 = arith.constant 128 : i32
      %mul3A_72 = arith.muli %add3A_70, %mul3A_71 : i32
      %dma_wait3A = arith.constant 0 : i32
      %dma_wait3A_73 = arith.constant 0 : i32
      %dma_wait3A_74 = tpu.memref_slice %arg6[%rem3A_69, %dma_wait3A, %dma_wait3A_73] : memref<8x2x128xi32, #tpu.memory_space<vmem>> -> memref<1x2x128xi32, #tpu.memory_space<vmem>>
      %dma_wait3A_75 = tpu.memref_squeeze %dma_wait3A_74 : memref<1x2x128xi32, #tpu.memory_space<vmem>> -> memref<2x128xi32, #tpu.memory_space<vmem>>
      %dma_wait3A_76 = arith.constant 0 : i32
      %dma_wait3A_77 = tpu.memref_slice %arg2[%dma_wait3A_76, %mul3A_72] : memref<2x320000xi32, #tpu.memory_space<hbm>> -> memref<2x128xi32, #tpu.memory_space<hbm>>
      %dma_wait3A_78 = tpu.memref_slice %arg10[%rem3A_69] : memref<8x!tpu.dma_semaphore, #tpu.memory_space<semaphore_mem>> -> memref<1x!tpu.dma_semaphore, #tpu.memory_space<semaphore_mem>>
      %dma_wait3A_79 = tpu.memref_squeeze %dma_wait3A_78 : memref<1x!tpu.dma_semaphore, #tpu.memory_space<semaphore_mem>> -> memref<!tpu.dma_semaphore, #tpu.memory_space<semaphore_mem>>
      %dma_wait3A_80 = arith.constant 0 : i32
      %dma_wait3A_81 = arith.constant 0 : i32
      %dma_wait3A_82 = tpu.memref_slice %arg6[%rem3A_69, %dma_wait3A_80, %dma_wait3A_81] : memref<8x2x128xi32, #tpu.memory_space<vmem>> -> memref<1x2x128xi32, #tpu.memory_space<vmem>>
      %dma_wait3A_83 = tpu.memref_squeeze %dma_wait3A_82 : memref<1x2x128xi32, #tpu.memory_space<vmem>> -> memref<2x128xi32, #tpu.memory_space<vmem>>
      %dma_wait3A_84 = arith.constant 0 : i32
      %dma_wait3A_85 = tpu.memref_slice %arg2[%dma_wait3A_84, %mul3A_72] : memref<2x320000xi32, #tpu.memory_space<hbm>> -> memref<2x128xi32, #tpu.memory_space<hbm>>
      tpu.wait_dma2 semaphore(%dma_wait3A_79 : memref<!tpu.dma_semaphore, #tpu.memory_space<semaphore_mem>>) src(%dma_wait3A_85 : memref<2x128xi32, #tpu.memory_space<hbm>>) dst(%dma_wait3A_83 : memref<2x128xi32, #tpu.memory_space<vmem>>)
      %dma_start3A = arith.constant 1 : i32
      %dma_start3A_86 = arith.constant 0 : i32
      %dma_start3A_87 = tpu.memref_slice %arg6[%rem3A_69, %dma_start3A, %dma_start3A_86] : memref<8x2x128xi32, #tpu.memory_space<vmem>> -> memref<1x1x128xi32, #tpu.memory_space<vmem>>
      %dma_start3A_88 = tpu.memref_squeeze %dma_start3A_87 : memref<1x1x128xi32, #tpu.memory_space<vmem>> -> memref<128xi32, #tpu.memory_space<vmem>>
      %dma_start3A_89 = arith.constant 0 : i32
      %dma_start3A_90 = tpu.memref_slice %arg9[%dma_start3A_89] : memref<10240xf32, #tpu.memory_space<vmem_shared>> -> memref<10240xf32, #tpu.memory_space<vmem_shared>>
      %dma_start3A_91 = tpu.memref_slice %arg11[%rem3A_69] : memref<8x!tpu.dma_semaphore, #tpu.memory_space<semaphore_mem>> -> memref<1x!tpu.dma_semaphore, #tpu.memory_space<semaphore_mem>>
      %dma_start3A_92 = tpu.memref_squeeze %dma_start3A_91 : memref<1x!tpu.dma_semaphore, #tpu.memory_space<semaphore_mem>> -> memref<!tpu.dma_semaphore, #tpu.memory_space<semaphore_mem>>
      tpu.enqueue_indirect_dma source(%arg7 : memref<128xf32, #tpu.memory_space<vmem>>) target(%dma_start3A_90 : memref<10240xf32, #tpu.memory_space<vmem_shared>>) offsets(%dma_start3A_88 : memref<128xi32, #tpu.memory_space<vmem>>) semaphore(%dma_start3A_92 : memref<!tpu.dma_semaphore, #tpu.memory_space<semaphore_mem>>) {add = true}
      %add3A_93 = arith.constant 8 : i32
      %add3A_94 = arith.addi %while3A_68, %add3A_93 : i32
      %sub3A_95 = arith.constant 1 : i32
      %sub3A_96 = arith.subi %add3A_94, %sub3A_95 : i32
      %lt3A_97 = arith.cmpi slt, %sub3A_96, %select_n3A : i32
      %convert_element_type3A_98 = arith.extui %lt3A_97 : i1 to i32
      %cond3A_99 = arith.constant 0 : i32
      %cond3A_100 = arith.cmpi ne, %convert_element_type3A_98, %cond3A_99 : i32
      scf.if %cond3A_100 {
        %rem3A_101 = arith.constant 8 : i32
        %rem3A_102 = arith.remsi %sub3A_96, %rem3A_101 : i32
        %ge3A = arith.constant 1 : i32
        %ge3A_103 = arith.cmpi sge, %while3A_68, %ge3A : i32
        %convert_element_type3A_104 = arith.extui %ge3A_103 : i1 to i32
        %cond3A_105 = arith.constant 0 : i32
        %cond3A_106 = arith.cmpi ne, %convert_element_type3A_104, %cond3A_105 : i32
        scf.if %cond3A_106 {
          %dma_wait3A_124 = arith.constant 1 : i32
          %dma_wait3A_125 = arith.constant 0 : i32
          %dma_wait3A_126 = tpu.memref_slice %arg6[%rem3A_102, %dma_wait3A_124, %dma_wait3A_125] : memref<8x2x128xi32, #tpu.memory_space<vmem>> -> memref<1x1x128xi32, #tpu.memory_space<vmem>>
          %dma_wait3A_127 = tpu.memref_squeeze %dma_wait3A_126 : memref<1x1x128xi32, #tpu.memory_space<vmem>> -> memref<128xi32, #tpu.memory_space<vmem>>
          %dma_wait3A_128 = arith.constant 0 : i32
          %dma_wait3A_129 = tpu.memref_slice %arg9[%dma_wait3A_128] : memref<10240xf32, #tpu.memory_space<vmem_shared>> -> memref<10240xf32, #tpu.memory_space<vmem_shared>>
          %dma_wait3A_130 = tpu.memref_slice %arg11[%rem3A_102] : memref<8x!tpu.dma_semaphore, #tpu.memory_space<semaphore_mem>> -> memref<1x!tpu.dma_semaphore, #tpu.memory_space<semaphore_mem>>
          %dma_wait3A_131 = tpu.memref_squeeze %dma_wait3A_130 : memref<1x!tpu.dma_semaphore, #tpu.memory_space<semaphore_mem>> -> memref<!tpu.dma_semaphore, #tpu.memory_space<semaphore_mem>>
          tpu.wait_indirect_dma semaphore(%dma_wait3A_131 : memref<!tpu.dma_semaphore, #tpu.memory_space<semaphore_mem>>) src(%arg7 : memref<128xf32, #tpu.memory_space<vmem>>) dst(%dma_wait3A_129 : memref<10240xf32, #tpu.memory_space<vmem_shared>>)
        } else {
        }
        %add3A_107 = arith.addi %add3A_6, %sub3A_96 : i32
        %mul3A_108 = arith.constant 128 : i32
        %mul3A_109 = arith.muli %add3A_107, %mul3A_108 : i32
        %dma_start3A_110 = arith.constant 0 : i32
        %dma_start3A_111 = arith.constant 0 : i32
        %dma_start3A_112 = tpu.memref_slice %arg6[%rem3A_102, %dma_start3A_110, %dma_start3A_111] : memref<8x2x128xi32, #tpu.memory_space<vmem>> -> memref<1x2x128xi32, #tpu.memory_space<vmem>>
        %dma_start3A_113 = tpu.memref_squeeze %dma_start3A_112 : memref<1x2x128xi32, #tpu.memory_space<vmem>> -> memref<2x128xi32, #tpu.memory_space<vmem>>
        %dma_start3A_114 = arith.constant 0 : i32
        %dma_start3A_115 = tpu.memref_slice %arg2[%dma_start3A_114, %mul3A_109] : memref<2x320000xi32, #tpu.memory_space<hbm>> -> memref<2x128xi32, #tpu.memory_space<hbm>>
        %dma_start3A_116 = tpu.memref_slice %arg10[%rem3A_102] : memref<8x!tpu.dma_semaphore, #tpu.memory_space<semaphore_mem>> -> memref<1x!tpu.dma_semaphore, #tpu.memory_space<semaphore_mem>>
        %dma_start3A_117 = tpu.memref_squeeze %dma_start3A_116 : memref<1x!tpu.dma_semaphore, #tpu.memory_space<semaphore_mem>> -> memref<!tpu.dma_semaphore, #tpu.memory_space<semaphore_mem>>
        %dma_start3A_118 = arith.constant 0 : i32
        %dma_start3A_119 = arith.constant 0 : i32
        %dma_start3A_120 = tpu.memref_slice %arg6[%rem3A_102, %dma_start3A_118, %dma_start3A_119] : memref<8x2x128xi32, #tpu.memory_space<vmem>> -> memref<1x2x128xi32, #tpu.memory_space<vmem>>
        %dma_start3A_121 = tpu.memref_squeeze %dma_start3A_120 : memref<1x2x128xi32, #tpu.memory_space<vmem>> -> memref<2x128xi32, #tpu.memory_space<vmem>>
        %dma_start3A_122 = arith.constant 0 : i32
        %dma_start3A_123 = tpu.memref_slice %arg2[%dma_start3A_122, %mul3A_109] : memref<2x320000xi32, #tpu.memory_space<hbm>> -> memref<2x128xi32, #tpu.memory_space<hbm>>
        tpu.enqueue_dma source(%dma_start3A_123 : memref<2x128xi32, #tpu.memory_space<hbm>>) target(%dma_start3A_121 : memref<2x128xi32, #tpu.memory_space<vmem>>) target_semaphore(%dma_start3A_117 : memref<!tpu.dma_semaphore, #tpu.memory_space<semaphore_mem>>)
      } else {
      }
    }
    %while3A_51 = arith.constant 1 : i32
    scf.for %while3A_68 = %while3A_49 to %while3A_45 step %while3A_51  : i32 {
      %rem3A = arith.constant 8 : i32
      %rem3A_69 = arith.remsi %while3A_68, %rem3A : i32
      %add3A_70 = arith.addi %add3A_6, %while3A_68 : i32
      %mul3A_71 = arith.constant 128 : i32
      %mul3A_72 = arith.muli %add3A_70, %mul3A_71 : i32
      %dma_wait3A = arith.constant 0 : i32
      %dma_wait3A_73 = arith.constant 0 : i32
      %dma_wait3A_74 = tpu.memref_slice %arg6[%rem3A_69, %dma_wait3A, %dma_wait3A_73] : memref<8x2x128xi32, #tpu.memory_space<vmem>> -> memref<1x2x128xi32, #tpu.memory_space<vmem>>
      %dma_wait3A_75 = tpu.memref_squeeze %dma_wait3A_74 : memref<1x2x128xi32, #tpu.memory_space<vmem>> -> memref<2x128xi32, #tpu.memory_space<vmem>>
      %dma_wait3A_76 = arith.constant 0 : i32
      %dma_wait3A_77 = tpu.memref_slice %arg2[%dma_wait3A_76, %mul3A_72] : memref<2x320000xi32, #tpu.memory_space<hbm>> -> memref<2x128xi32, #tpu.memory_space<hbm>>
      %dma_wait3A_78 = tpu.memref_slice %arg10[%rem3A_69] : memref<8x!tpu.dma_semaphore, #tpu.memory_space<semaphore_mem>> -> memref<1x!tpu.dma_semaphore, #tpu.memory_space<semaphore_mem>>
      %dma_wait3A_79 = tpu.memref_squeeze %dma_wait3A_78 : memref<1x!tpu.dma_semaphore, #tpu.memory_space<semaphore_mem>> -> memref<!tpu.dma_semaphore, #tpu.memory_space<semaphore_mem>>
      %dma_wait3A_80 = arith.constant 0 : i32
      %dma_wait3A_81 = arith.constant 0 : i32
      %dma_wait3A_82 = tpu.memref_slice %arg6[%rem3A_69, %dma_wait3A_80, %dma_wait3A_81] : memref<8x2x128xi32, #tpu.memory_space<vmem>> -> memref<1x2x128xi32, #tpu.memory_space<vmem>>
      %dma_wait3A_83 = tpu.memref_squeeze %dma_wait3A_82 : memref<1x2x128xi32, #tpu.memory_space<vmem>> -> memref<2x128xi32, #tpu.memory_space<vmem>>
      %dma_wait3A_84 = arith.constant 0 : i32
      %dma_wait3A_85 = tpu.memref_slice %arg2[%dma_wait3A_84, %mul3A_72] : memref<2x320000xi32, #tpu.memory_space<hbm>> -> memref<2x128xi32, #tpu.memory_space<hbm>>
      tpu.wait_dma2 semaphore(%dma_wait3A_79 : memref<!tpu.dma_semaphore, #tpu.memory_space<semaphore_mem>>) src(%dma_wait3A_85 : memref<2x128xi32, #tpu.memory_space<hbm>>) dst(%dma_wait3A_83 : memref<2x128xi32, #tpu.memory_space<vmem>>)
      %dma_start3A = arith.constant 1 : i32
      %dma_start3A_86 = arith.constant 0 : i32
      %dma_start3A_87 = tpu.memref_slice %arg6[%rem3A_69, %dma_start3A, %dma_start3A_86] : memref<8x2x128xi32, #tpu.memory_space<vmem>> -> memref<1x1x128xi32, #tpu.memory_space<vmem>>
      %dma_start3A_88 = tpu.memref_squeeze %dma_start3A_87 : memref<1x1x128xi32, #tpu.memory_space<vmem>> -> memref<128xi32, #tpu.memory_space<vmem>>
      %dma_start3A_89 = arith.constant 0 : i32
      %dma_start3A_90 = tpu.memref_slice %arg9[%dma_start3A_89] : memref<10240xf32, #tpu.memory_space<vmem_shared>> -> memref<10240xf32, #tpu.memory_space<vmem_shared>>
      %dma_start3A_91 = tpu.memref_slice %arg11[%rem3A_69] : memref<8x!tpu.dma_semaphore, #tpu.memory_space<semaphore_mem>> -> memref<1x!tpu.dma_semaphore, #tpu.memory_space<semaphore_mem>>
      %dma_start3A_92 = tpu.memref_squeeze %dma_start3A_91 : memref<1x!tpu.dma_semaphore, #tpu.memory_space<semaphore_mem>> -> memref<!tpu.dma_semaphore, #tpu.memory_space<semaphore_mem>>
      tpu.enqueue_indirect_dma source(%arg7 : memref<128xf32, #tpu.memory_space<vmem>>) target(%dma_start3A_90 : memref<10240xf32, #tpu.memory_space<vmem_shared>>) offsets(%dma_start3A_88 : memref<128xi32, #tpu.memory_space<vmem>>) semaphore(%dma_start3A_92 : memref<!tpu.dma_semaphore, #tpu.memory_space<semaphore_mem>>) {add = true}
      %add3A_93 = arith.constant 8 : i32
      %add3A_94 = arith.addi %while3A_68, %add3A_93 : i32
      %sub3A_95 = arith.constant 1 : i32
      %sub3A_96 = arith.subi %add3A_94, %sub3A_95 : i32
      %lt3A_97 = arith.cmpi slt, %sub3A_96, %select_n3A : i32
      %convert_element_type3A_98 = arith.extui %lt3A_97 : i1 to i32
      %cond3A_99 = arith.constant 0 : i32
      %cond3A_100 = arith.cmpi ne, %convert_element_type3A_98, %cond3A_99 : i32
      scf.if %cond3A_100 {
        %rem3A_101 = arith.constant 8 : i32
        %rem3A_102 = arith.remsi %sub3A_96, %rem3A_101 : i32
        %ge3A = arith.constant 1 : i32
        %ge3A_103 = arith.cmpi sge, %while3A_68, %ge3A : i32
        %convert_element_type3A_104 = arith.extui %ge3A_103 : i1 to i32
        %cond3A_105 = arith.constant 0 : i32
        %cond3A_106 = arith.cmpi ne, %convert_element_type3A_104, %cond3A_105 : i32
        scf.if %cond3A_106 {
          %dma_wait3A_124 = arith.constant 1 : i32
          %dma_wait3A_125 = arith.constant 0 : i32
          %dma_wait3A_126 = tpu.memref_slice %arg6[%rem3A_102, %dma_wait3A_124, %dma_wait3A_125] : memref<8x2x128xi32, #tpu.memory_space<vmem>> -> memref<1x1x128xi32, #tpu.memory_space<vmem>>
          %dma_wait3A_127 = tpu.memref_squeeze %dma_wait3A_126 : memref<1x1x128xi32, #tpu.memory_space<vmem>> -> memref<128xi32, #tpu.memory_space<vmem>>
          %dma_wait3A_128 = arith.constant 0 : i32
          %dma_wait3A_129 = tpu.memref_slice %arg9[%dma_wait3A_128] : memref<10240xf32, #tpu.memory_space<vmem_shared>> -> memref<10240xf32, #tpu.memory_space<vmem_shared>>
          %dma_wait3A_130 = tpu.memref_slice %arg11[%rem3A_102] : memref<8x!tpu.dma_semaphore, #tpu.memory_space<semaphore_mem>> -> memref<1x!tpu.dma_semaphore, #tpu.memory_space<semaphore_mem>>
          %dma_wait3A_131 = tpu.memref_squeeze %dma_wait3A_130 : memref<1x!tpu.dma_semaphore, #tpu.memory_space<semaphore_mem>> -> memref<!tpu.dma_semaphore, #tpu.memory_space<semaphore_mem>>
          tpu.wait_indirect_dma semaphore(%dma_wait3A_131 : memref<!tpu.dma_semaphore, #tpu.memory_space<semaphore_mem>>) src(%arg7 : memref<128xf32, #tpu.memory_space<vmem>>) dst(%dma_wait3A_129 : memref<10240xf32, #tpu.memory_space<vmem_shared>>)
        } else {
        }
        %add3A_107 = arith.addi %add3A_6, %sub3A_96 : i32
        %mul3A_108 = arith.constant 128 : i32
        %mul3A_109 = arith.muli %add3A_107, %mul3A_108 : i32
        %dma_start3A_110 = arith.constant 0 : i32
        %dma_start3A_111 = arith.constant 0 : i32
        %dma_start3A_112 = tpu.memref_slice %arg6[%rem3A_102, %dma_start3A_110, %dma_start3A_111] : memref<8x2x128xi32, #tpu.memory_space<vmem>> -> memref<1x2x128xi32, #tpu.memory_space<vmem>>
        %dma_start3A_113 = tpu.memref_squeeze %dma_start3A_112 : memref<1x2x128xi32, #tpu.memory_space<vmem>> -> memref<2x128xi32, #tpu.memory_space<vmem>>
        %dma_start3A_114 = arith.constant 0 : i32
        %dma_start3A_115 = tpu.memref_slice %arg2[%dma_start3A_114, %mul3A_109] : memref<2x320000xi32, #tpu.memory_space<hbm>> -> memref<2x128xi32, #tpu.memory_space<hbm>>
        %dma_start3A_116 = tpu.memref_slice %arg10[%rem3A_102] : memref<8x!tpu.dma_semaphore, #tpu.memory_space<semaphore_mem>> -> memref<1x!tpu.dma_semaphore, #tpu.memory_space<semaphore_mem>>
        %dma_start3A_117 = tpu.memref_squeeze %dma_start3A_116 : memref<1x!tpu.dma_semaphore, #tpu.memory_space<semaphore_mem>> -> memref<!tpu.dma_semaphore, #tpu.memory_space<semaphore_mem>>
        %dma_start3A_118 = arith.constant 0 : i32
        %dma_start3A_119 = arith.constant 0 : i32
        %dma_start3A_120 = tpu.memref_slice %arg6[%rem3A_102, %dma_start3A_118, %dma_start3A_119] : memref<8x2x128xi32, #tpu.memory_space<vmem>> -> memref<1x2x128xi32, #tpu.memory_space<vmem>>
        %dma_start3A_121 = tpu.memref_squeeze %dma_start3A_120 : memref<1x2x128xi32, #tpu.memory_space<vmem>> -> memref<2x128xi32, #tpu.memory_space<vmem>>
        %dma_start3A_122 = arith.constant 0 : i32
        %dma_start3A_123 = tpu.memref_slice %arg2[%dma_start3A_122, %mul3A_109] : memref<2x320000xi32, #tpu.memory_space<hbm>> -> memref<2x128xi32, #tpu.memory_space<hbm>>
        tpu.enqueue_dma source(%dma_start3A_123 : memref<2x128xi32, #tpu.memory_space<hbm>>) target(%dma_start3A_121 : memref<2x128xi32, #tpu.memory_space<vmem>>) target_semaphore(%dma_start3A_117 : memref<!tpu.dma_semaphore, #tpu.memory_space<semaphore_mem>>)
      } else {
      }
    }
    %sub3A = arith.constant 8 : i32
    %sub3A_52 = arith.subi %select_n3A, %sub3A : i32
    %while3A_53 = arith.constant 0 : i32
    %while3A_54 = arith.subi %select_n3A, %sub3A_52 : i32
    %while3A_55 = arith.addi %sub3A_52, %while3A_54 : i32
    %while3A_56 = arith.constant 1 : i32
    %while3A_57 = arith.divsi %while3A_54, %while3A_56 : i32
    %while3A_58 = arith.muli %while3A_57, %while3A_56 : i32
    %while3A_59 = arith.addi %sub3A_52, %while3A_58 : i32
    %while3A_60 = arith.constant 1 : i32
    scf.for %while3A_68 = %sub3A_52 to %while3A_59 step %while3A_60  : i32 {
      %rem3A = arith.constant 8 : i32
      %rem3A_69 = arith.remsi %while3A_68, %rem3A : i32
      %dma_wait3A = arith.constant 1 : i32
      %dma_wait3A_70 = arith.constant 0 : i32
      %dma_wait3A_71 = tpu.memref_slice %arg6[%rem3A_69, %dma_wait3A, %dma_wait3A_70] : memref<8x2x128xi32, #tpu.memory_space<vmem>> -> memref<1x1x128xi32, #tpu.memory_space<vmem>>
      %dma_wait3A_72 = tpu.memref_squeeze %dma_wait3A_71 : memref<1x1x128xi32, #tpu.memory_space<vmem>> -> memref<128xi32, #tpu.memory_space<vmem>>
      %dma_wait3A_73 = arith.constant 0 : i32
      %dma_wait3A_74 = tpu.memref_slice %arg9[%dma_wait3A_73] : memref<10240xf32, #tpu.memory_space<vmem_shared>> -> memref<10240xf32, #tpu.memory_space<vmem_shared>>
      %dma_wait3A_75 = tpu.memref_slice %arg11[%rem3A_69] : memref<8x!tpu.dma_semaphore, #tpu.memory_space<semaphore_mem>> -> memref<1x!tpu.dma_semaphore, #tpu.memory_space<semaphore_mem>>
      %dma_wait3A_76 = tpu.memref_squeeze %dma_wait3A_75 : memref<1x!tpu.dma_semaphore, #tpu.memory_space<semaphore_mem>> -> memref<!tpu.dma_semaphore, #tpu.memory_space<semaphore_mem>>
      tpu.wait_indirect_dma semaphore(%dma_wait3A_76 : memref<!tpu.dma_semaphore, #tpu.memory_space<semaphore_mem>>) src(%arg7 : memref<128xf32, #tpu.memory_space<vmem>>) dst(%dma_wait3A_74 : memref<10240xf32, #tpu.memory_space<vmem_shared>>)
    }
    %while3A_61 = arith.constant 1 : i32
    scf.for %while3A_68 = %while3A_59 to %while3A_55 step %while3A_61  : i32 {
      %rem3A = arith.constant 8 : i32
      %rem3A_69 = arith.remsi %while3A_68, %rem3A : i32
      %dma_wait3A = arith.constant 1 : i32
      %dma_wait3A_70 = arith.constant 0 : i32
      %dma_wait3A_71 = tpu.memref_slice %arg6[%rem3A_69, %dma_wait3A, %dma_wait3A_70] : memref<8x2x128xi32, #tpu.memory_space<vmem>> -> memref<1x1x128xi32, #tpu.memory_space<vmem>>
      %dma_wait3A_72 = tpu.memref_squeeze %dma_wait3A_71 : memref<1x1x128xi32, #tpu.memory_space<vmem>> -> memref<128xi32, #tpu.memory_space<vmem>>
      %dma_wait3A_73 = arith.constant 0 : i32
      %dma_wait3A_74 = tpu.memref_slice %arg9[%dma_wait3A_73] : memref<10240xf32, #tpu.memory_space<vmem_shared>> -> memref<10240xf32, #tpu.memory_space<vmem_shared>>
      %dma_wait3A_75 = tpu.memref_slice %arg11[%rem3A_69] : memref<8x!tpu.dma_semaphore, #tpu.memory_space<semaphore_mem>> -> memref<1x!tpu.dma_semaphore, #tpu.memory_space<semaphore_mem>>
      %dma_wait3A_76 = tpu.memref_squeeze %dma_wait3A_75 : memref<1x!tpu.dma_semaphore, #tpu.memory_space<semaphore_mem>> -> memref<!tpu.dma_semaphore, #tpu.memory_space<semaphore_mem>>
      tpu.wait_indirect_dma semaphore(%dma_wait3A_76 : memref<!tpu.dma_semaphore, #tpu.memory_space<semaphore_mem>>) src(%arg7 : memref<128xf32, #tpu.memory_space<vmem>>) dst(%dma_wait3A_74 : memref<10240xf32, #tpu.memory_space<vmem_shared>>)
    }
    %barrier3A_62 = arith.constant 0 : index
    tpu.barrier barrier_id(%barrier3A_62)
    %eq3A_63 = arith.constant 0 : i32
    %eq3A_64 = arith.cmpi eq, %arg1, %eq3A_63 : i32
    %convert_element_type3A_65 = arith.extui %eq3A_64 : i1 to i32
    %cond3A_66 = arith.constant 0 : i32
    %cond3A_67 = arith.cmpi ne, %convert_element_type3A_65, %cond3A_66 : i32
    scf.if %cond3A_67 {
      "tpu.region"() ({
        %run_scoped3A = tpu.sem_alloc : memref<!tpu.dma_semaphore, #tpu.memory_space<semaphore_mem>>
        tpu.enqueue_dma source(%arg9 : memref<10240xf32, #tpu.memory_space<vmem_shared>>) target(%arg8 : memref<10240xf32, #tpu.memory_space<vmem>>) target_semaphore(%run_scoped3A : memref<!tpu.dma_semaphore, #tpu.memory_space<semaphore_mem>>)
        tpu.wait_dma2 semaphore(%run_scoped3A : memref<!tpu.dma_semaphore, #tpu.memory_space<semaphore_mem>>) src(%arg9 : memref<10240xf32, #tpu.memory_space<vmem_shared>>) dst(%arg8 : memref<10240xf32, #tpu.memory_space<vmem>>)
        tpu.yield
      }) : () -> ()
      %mul3A_68 = arith.constant 10240 : i32
      %mul3A_69 = arith.muli %arg0, %mul3A_68 : i32
      "tpu.region"() ({
        %run_scoped3A = tpu.sem_alloc : memref<!tpu.dma_semaphore, #tpu.memory_space<semaphore_mem>>
        %dma_start3A = tpu.memref_slice %arg5[%mul3A_69] : memref<20480xf32, #tpu.memory_space<hbm>> -> memref<10240xf32, #tpu.memory_space<hbm>>
        %dma_start3A_70 = tpu.memref_slice %arg5[%mul3A_69] : memref<20480xf32, #tpu.memory_space<hbm>> -> memref<10240xf32, #tpu.memory_space<hbm>>
        tpu.enqueue_dma source(%arg8 : memref<10240xf32, #tpu.memory_space<vmem>>) target(%dma_start3A_70 : memref<10240xf32, #tpu.memory_space<hbm>>) target_semaphore(%run_scoped3A : memref<!tpu.dma_semaphore, #tpu.memory_space<semaphore_mem>>)
        %dma_wait3A = tpu.memref_slice %arg5[%mul3A_69] : memref<20480xf32, #tpu.memory_space<hbm>> -> memref<10240xf32, #tpu.memory_space<hbm>>
        %dma_wait3A_71 = tpu.memref_slice %arg5[%mul3A_69] : memref<20480xf32, #tpu.memory_space<hbm>> -> memref<10240xf32, #tpu.memory_space<hbm>>
        tpu.wait_dma2 semaphore(%run_scoped3A : memref<!tpu.dma_semaphore, #tpu.memory_space<semaphore_mem>>) src(%arg8 : memref<10240xf32, #tpu.memory_space<vmem>>) dst(%dma_wait3A_71 : memref<10240xf32, #tpu.memory_space<hbm>>)
        tpu.yield
      }) : () -> ()
    } else {
    }
    return
  }
}

#map = affine_map<(d0, d1) -> (0, 0)>
#map1 = affine_map<(d0, d1) -> (0, 0, 0)>
module attributes {stable_mosaic.version = 14 : i64} {
  func.func @_agg_kernel(%arg0: i32, %arg1: i32, %arg2: memref<10240x16xf32, #tpu.memory_space<hbm>>, %arg3: memref<2560x128xi32, #tpu.memory_space<hbm>>, %arg4: memref<2560x128xi32, #tpu.memory_space<hbm>>, %arg5: memref<640x16xf32, #tpu.memory_space<hbm>>, %arg6: memref<2x10240x16xf32, #tpu.memory_space<hbm>>, %arg7: memref<80x128xi32, #tpu.memory_space<vmem>>, %arg8: memref<80x128xi32, #tpu.memory_space<vmem>>, %arg9: memref<8x128x16xf32, #tpu.memory_space<vmem>>, %arg10: memref<640x16xf32, #tpu.memory_space<vmem>>, %arg11: memref<10240x16xf32, #tpu.memory_space<vmem_shared>>, %arg12: memref<8x!tpu.dma_semaphore, #tpu.memory_space<semaphore_mem>>, %arg13: memref<8x!tpu.dma_semaphore, #tpu.memory_space<semaphore_mem>>) attributes {dimension_semantics = [#tpu.dimension_semantics<core_parallel>, #tpu.dimension_semantics<subcore_parallel>], iteration_bounds = array<i64: 2, 16>, scalar_prefetch = 0 : i64, scratch_operands = 7 : i64, tpu.core_type = #tpu.core_type<sc_vector_subcore>, window_params = [{transform_indices = #map}, {transform_indices = #map}, {transform_indices = #map}, {transform_indices = #map}, {transform_indices = #map1}]} {
    %mul3A = arith.constant 2 : i32
    %mul3A_0 = arith.muli %arg1, %mul3A : i32
    %add3A = arith.addi %mul3A_0, %arg0 : i32
    "tpu.region"() ({
      %run_scoped3A = tpu.sem_alloc : memref<!tpu.dma_semaphore, #tpu.memory_space<semaphore_mem>>
      tpu.enqueue_dma source(%arg5 : memref<640x16xf32, #tpu.memory_space<hbm>>) target(%arg10 : memref<640x16xf32, #tpu.memory_space<vmem>>) target_semaphore(%run_scoped3A : memref<!tpu.dma_semaphore, #tpu.memory_space<semaphore_mem>>)
      tpu.wait_dma2 semaphore(%run_scoped3A : memref<!tpu.dma_semaphore, #tpu.memory_space<semaphore_mem>>) src(%arg5 : memref<640x16xf32, #tpu.memory_space<hbm>>) dst(%arg10 : memref<640x16xf32, #tpu.memory_space<vmem>>)
      tpu.yield
    }) : () -> ()
    %mul3A_1 = arith.constant 640 : i32
    %mul3A_2 = arith.muli %arg1, %mul3A_1 : i32
    "tpu.region"() ({
      %run_scoped3A = tpu.sem_alloc : memref<!tpu.dma_semaphore, #tpu.memory_space<semaphore_mem>>
      %dma_start3A_127 = arith.constant 0 : i32
      %dma_start3A_128 = tpu.memref_slice %arg11[%mul3A_2, %dma_start3A_127] : memref<10240x16xf32, #tpu.memory_space<vmem_shared>> -> memref<640x16xf32, #tpu.memory_space<vmem_shared>>
      %dma_start3A_129 = arith.constant 0 : i32
      %dma_start3A_130 = tpu.memref_slice %arg11[%mul3A_2, %dma_start3A_129] : memref<10240x16xf32, #tpu.memory_space<vmem_shared>> -> memref<640x16xf32, #tpu.memory_space<vmem_shared>>
      tpu.enqueue_dma source(%arg10 : memref<640x16xf32, #tpu.memory_space<vmem>>) target(%dma_start3A_130 : memref<640x16xf32, #tpu.memory_space<vmem_shared>>) target_semaphore(%run_scoped3A : memref<!tpu.dma_semaphore, #tpu.memory_space<semaphore_mem>>)
      %dma_wait3A = arith.constant 0 : i32
      %dma_wait3A_131 = tpu.memref_slice %arg11[%mul3A_2, %dma_wait3A] : memref<10240x16xf32, #tpu.memory_space<vmem_shared>> -> memref<640x16xf32, #tpu.memory_space<vmem_shared>>
      %dma_wait3A_132 = arith.constant 0 : i32
      %dma_wait3A_133 = tpu.memref_slice %arg11[%mul3A_2, %dma_wait3A_132] : memref<10240x16xf32, #tpu.memory_space<vmem_shared>> -> memref<640x16xf32, #tpu.memory_space<vmem_shared>>
      tpu.wait_dma2 semaphore(%run_scoped3A : memref<!tpu.dma_semaphore, #tpu.memory_space<semaphore_mem>>) src(%arg10 : memref<640x16xf32, #tpu.memory_space<vmem>>) dst(%dma_wait3A_133 : memref<640x16xf32, #tpu.memory_space<vmem_shared>>)
      tpu.yield
    }) : () -> ()
    %mul3A_3 = arith.constant 80 : i32
    %mul3A_4 = arith.muli %add3A, %mul3A_3 : i32
    "tpu.region"() ({
      %run_scoped3A = tpu.sem_alloc : memref<!tpu.dma_semaphore, #tpu.memory_space<semaphore_mem>>
      %dma_start3A_127 = arith.constant 0 : i32
      %dma_start3A_128 = tpu.memref_slice %arg3[%mul3A_4, %dma_start3A_127] : memref<2560x128xi32, #tpu.memory_space<hbm>> -> memref<80x128xi32, #tpu.memory_space<hbm>>
      %dma_start3A_129 = arith.constant 0 : i32
      %dma_start3A_130 = tpu.memref_slice %arg3[%mul3A_4, %dma_start3A_129] : memref<2560x128xi32, #tpu.memory_space<hbm>> -> memref<80x128xi32, #tpu.memory_space<hbm>>
      tpu.enqueue_dma source(%dma_start3A_130 : memref<80x128xi32, #tpu.memory_space<hbm>>) target(%arg7 : memref<80x128xi32, #tpu.memory_space<vmem>>) target_semaphore(%run_scoped3A : memref<!tpu.dma_semaphore, #tpu.memory_space<semaphore_mem>>)
      %dma_wait3A = arith.constant 0 : i32
      %dma_wait3A_131 = tpu.memref_slice %arg3[%mul3A_4, %dma_wait3A] : memref<2560x128xi32, #tpu.memory_space<hbm>> -> memref<80x128xi32, #tpu.memory_space<hbm>>
      %dma_wait3A_132 = arith.constant 0 : i32
      %dma_wait3A_133 = tpu.memref_slice %arg3[%mul3A_4, %dma_wait3A_132] : memref<2560x128xi32, #tpu.memory_space<hbm>> -> memref<80x128xi32, #tpu.memory_space<hbm>>
      tpu.wait_dma2 semaphore(%run_scoped3A : memref<!tpu.dma_semaphore, #tpu.memory_space<semaphore_mem>>) src(%dma_wait3A_133 : memref<80x128xi32, #tpu.memory_space<hbm>>) dst(%arg7 : memref<80x128xi32, #tpu.memory_space<vmem>>)
      tpu.yield
    }) : () -> ()
    %mul3A_5 = arith.constant 80 : i32
    %mul3A_6 = arith.muli %add3A, %mul3A_5 : i32
    "tpu.region"() ({
      %run_scoped3A = tpu.sem_alloc : memref<!tpu.dma_semaphore, #tpu.memory_space<semaphore_mem>>
      %dma_start3A_127 = arith.constant 0 : i32
      %dma_start3A_128 = tpu.memref_slice %arg4[%mul3A_6, %dma_start3A_127] : memref<2560x128xi32, #tpu.memory_space<hbm>> -> memref<80x128xi32, #tpu.memory_space<hbm>>
      %dma_start3A_129 = arith.constant 0 : i32
      %dma_start3A_130 = tpu.memref_slice %arg4[%mul3A_6, %dma_start3A_129] : memref<2560x128xi32, #tpu.memory_space<hbm>> -> memref<80x128xi32, #tpu.memory_space<hbm>>
      tpu.enqueue_dma source(%dma_start3A_130 : memref<80x128xi32, #tpu.memory_space<hbm>>) target(%arg8 : memref<80x128xi32, #tpu.memory_space<vmem>>) target_semaphore(%run_scoped3A : memref<!tpu.dma_semaphore, #tpu.memory_space<semaphore_mem>>)
      %dma_wait3A = arith.constant 0 : i32
      %dma_wait3A_131 = tpu.memref_slice %arg4[%mul3A_6, %dma_wait3A] : memref<2560x128xi32, #tpu.memory_space<hbm>> -> memref<80x128xi32, #tpu.memory_space<hbm>>
      %dma_wait3A_132 = arith.constant 0 : i32
      %dma_wait3A_133 = tpu.memref_slice %arg4[%mul3A_6, %dma_wait3A_132] : memref<2560x128xi32, #tpu.memory_space<hbm>> -> memref<80x128xi32, #tpu.memory_space<hbm>>
      tpu.wait_dma2 semaphore(%run_scoped3A : memref<!tpu.dma_semaphore, #tpu.memory_space<semaphore_mem>>) src(%dma_wait3A_133 : memref<80x128xi32, #tpu.memory_space<hbm>>) dst(%arg8 : memref<80x128xi32, #tpu.memory_space<vmem>>)
      tpu.yield
    }) : () -> ()
    %barrier3A = arith.constant 0 : index
    tpu.barrier barrier_id(%barrier3A)
    %dma_start3A = arith.constant 0 : i32
    %dma_start3A_7 = arith.constant 0 : i32
    %dma_start3A_8 = arith.constant 0 : i32
    %dma_start3A_9 = arith.constant 0 : i32
    %dma_start3A_10 = arith.constant 0 : i32
    %dma_start3A_11 = tpu.memref_slice %arg9[%dma_start3A_7, %dma_start3A_9, %dma_start3A_10] : memref<8x128x16xf32, #tpu.memory_space<vmem>> -> memref<1x128x16xf32, #tpu.memory_space<vmem>>
    %dma_start3A_12 = tpu.memref_squeeze %dma_start3A_11 : memref<1x128x16xf32, #tpu.memory_space<vmem>> -> memref<128x16xf32, #tpu.memory_space<vmem>>
    %dma_start3A_13 = arith.constant 0 : i32
    %dma_start3A_14 = tpu.memref_slice %arg7[%dma_start3A, %dma_start3A_13] : memref<80x128xi32, #tpu.memory_space<vmem>> -> memref<1x128xi32, #tpu.memory_space<vmem>>
    %dma_start3A_15 = tpu.memref_squeeze %dma_start3A_14 : memref<1x128xi32, #tpu.memory_space<vmem>> -> memref<128xi32, #tpu.memory_space<vmem>>
    %dma_start3A_16 = arith.constant 0 : i32
    %dma_start3A_17 = arith.constant 0 : i32
    %dma_start3A_18 = tpu.memref_slice %arg2[%dma_start3A_16, %dma_start3A_17] : memref<10240x16xf32, #tpu.memory_space<hbm>> -> memref<10240x16xf32, #tpu.memory_space<hbm>>
    %dma_start3A_19 = tpu.memref_slice %arg12[%dma_start3A_8] : memref<8x!tpu.dma_semaphore, #tpu.memory_space<semaphore_mem>> -> memref<1x!tpu.dma_semaphore, #tpu.memory_space<semaphore_mem>>
    %dma_start3A_20 = tpu.memref_squeeze %dma_start3A_19 : memref<1x!tpu.dma_semaphore, #tpu.memory_space<semaphore_mem>> -> memref<!tpu.dma_semaphore, #tpu.memory_space<semaphore_mem>>
    tpu.enqueue_indirect_dma source(%dma_start3A_18 : memref<10240x16xf32, #tpu.memory_space<hbm>>) target(%dma_start3A_12 : memref<128x16xf32, #tpu.memory_space<vmem>>) offsets(%dma_start3A_15 : memref<128xi32, #tpu.memory_space<vmem>>) semaphore(%dma_start3A_20 : memref<!tpu.dma_semaphore, #tpu.memory_space<semaphore_mem>>)
    %dma_start3A_21 = arith.constant 1 : i32
    %dma_start3A_22 = arith.constant 1 : i32
    %dma_start3A_23 = arith.constant 1 : i32
    %dma_start3A_24 = arith.constant 0 : i32
    %dma_start3A_25 = arith.constant 0 : i32
    %dma_start3A_26 = tpu.memref_slice %arg9[%dma_start3A_22, %dma_start3A_24, %dma_start3A_25] : memref<8x128x16xf32, #tpu.memory_space<vmem>> -> memref<1x128x16xf32, #tpu.memory_space<vmem>>
    %dma_start3A_27 = tpu.memref_squeeze %dma_start3A_26 : memref<1x128x16xf32, #tpu.memory_space<vmem>> -> memref<128x16xf32, #tpu.memory_space<vmem>>
    %dma_start3A_28 = arith.constant 0 : i32
    %dma_start3A_29 = tpu.memref_slice %arg7[%dma_start3A_21, %dma_start3A_28] : memref<80x128xi32, #tpu.memory_space<vmem>> -> memref<1x128xi32, #tpu.memory_space<vmem>>
    %dma_start3A_30 = tpu.memref_squeeze %dma_start3A_29 : memref<1x128xi32, #tpu.memory_space<vmem>> -> memref<128xi32, #tpu.memory_space<vmem>>
    %dma_start3A_31 = arith.constant 0 : i32
    %dma_start3A_32 = arith.constant 0 : i32
    %dma_start3A_33 = tpu.memref_slice %arg2[%dma_start3A_31, %dma_start3A_32] : memref<10240x16xf32, #tpu.memory_space<hbm>> -> memref<10240x16xf32, #tpu.memory_space<hbm>>
    %dma_start3A_34 = tpu.memref_slice %arg12[%dma_start3A_23] : memref<8x!tpu.dma_semaphore, #tpu.memory_space<semaphore_mem>> -> memref<1x!tpu.dma_semaphore, #tpu.memory_space<semaphore_mem>>
    %dma_start3A_35 = tpu.memref_squeeze %dma_start3A_34 : memref<1x!tpu.dma_semaphore, #tpu.memory_space<semaphore_mem>> -> memref<!tpu.dma_semaphore, #tpu.memory_space<semaphore_mem>>
    tpu.enqueue_indirect_dma source(%dma_start3A_33 : memref<10240x16xf32, #tpu.memory_space<hbm>>) target(%dma_start3A_27 : memref<128x16xf32, #tpu.memory_space<vmem>>) offsets(%dma_start3A_30 : memref<128xi32, #tpu.memory_space<vmem>>) semaphore(%dma_start3A_35 : memref<!tpu.dma_semaphore, #tpu.memory_space<semaphore_mem>>)
    %dma_start3A_36 = arith.constant 2 : i32
    %dma_start3A_37 = arith.constant 2 : i32
    %dma_start3A_38 = arith.constant 2 : i32
    %dma_start3A_39 = arith.constant 0 : i32
    %dma_start3A_40 = arith.constant 0 : i32
    %dma_start3A_41 = tpu.memref_slice %arg9[%dma_start3A_37, %dma_start3A_39, %dma_start3A_40] : memref<8x128x16xf32, #tpu.memory_space<vmem>> -> memref<1x128x16xf32, #tpu.memory_space<vmem>>
    %dma_start3A_42 = tpu.memref_squeeze %dma_start3A_41 : memref<1x128x16xf32, #tpu.memory_space<vmem>> -> memref<128x16xf32, #tpu.memory_space<vmem>>
    %dma_start3A_43 = arith.constant 0 : i32
    %dma_start3A_44 = tpu.memref_slice %arg7[%dma_start3A_36, %dma_start3A_43] : memref<80x128xi32, #tpu.memory_space<vmem>> -> memref<1x128xi32, #tpu.memory_space<vmem>>
    %dma_start3A_45 = tpu.memref_squeeze %dma_start3A_44 : memref<1x128xi32, #tpu.memory_space<vmem>> -> memref<128xi32, #tpu.memory_space<vmem>>
    %dma_start3A_46 = arith.constant 0 : i32
    %dma_start3A_47 = arith.constant 0 : i32
    %dma_start3A_48 = tpu.memref_slice %arg2[%dma_start3A_46, %dma_start3A_47] : memref<10240x16xf32, #tpu.memory_space<hbm>> -> memref<10240x16xf32, #tpu.memory_space<hbm>>
    %dma_start3A_49 = tpu.memref_slice %arg12[%dma_start3A_38] : memref<8x!tpu.dma_semaphore, #tpu.memory_space<semaphore_mem>> -> memref<1x!tpu.dma_semaphore, #tpu.memory_space<semaphore_mem>>
    %dma_start3A_50 = tpu.memref_squeeze %dma_start3A_49 : memref<1x!tpu.dma_semaphore, #tpu.memory_space<semaphore_mem>> -> memref<!tpu.dma_semaphore, #tpu.memory_space<semaphore_mem>>
    tpu.enqueue_indirect_dma source(%dma_start3A_48 : memref<10240x16xf32, #tpu.memory_space<hbm>>) target(%dma_start3A_42 : memref<128x16xf32, #tpu.memory_space<vmem>>) offsets(%dma_start3A_45 : memref<128xi32, #tpu.memory_space<vmem>>) semaphore(%dma_start3A_50 : memref<!tpu.dma_semaphore, #tpu.memory_space<semaphore_mem>>)
    %dma_start3A_51 = arith.constant 3 : i32
    %dma_start3A_52 = arith.constant 3 : i32
    %dma_start3A_53 = arith.constant 3 : i32
    %dma_start3A_54 = arith.constant 0 : i32
    %dma_start3A_55 = arith.constant 0 : i32
    %dma_start3A_56 = tpu.memref_slice %arg9[%dma_start3A_52, %dma_start3A_54, %dma_start3A_55] : memref<8x128x16xf32, #tpu.memory_space<vmem>> -> memref<1x128x16xf32, #tpu.memory_space<vmem>>
    %dma_start3A_57 = tpu.memref_squeeze %dma_start3A_56 : memref<1x128x16xf32, #tpu.memory_space<vmem>> -> memref<128x16xf32, #tpu.memory_space<vmem>>
    %dma_start3A_58 = arith.constant 0 : i32
    %dma_start3A_59 = tpu.memref_slice %arg7[%dma_start3A_51, %dma_start3A_58] : memref<80x128xi32, #tpu.memory_space<vmem>> -> memref<1x128xi32, #tpu.memory_space<vmem>>
    %dma_start3A_60 = tpu.memref_squeeze %dma_start3A_59 : memref<1x128xi32, #tpu.memory_space<vmem>> -> memref<128xi32, #tpu.memory_space<vmem>>
    %dma_start3A_61 = arith.constant 0 : i32
    %dma_start3A_62 = arith.constant 0 : i32
    %dma_start3A_63 = tpu.memref_slice %arg2[%dma_start3A_61, %dma_start3A_62] : memref<10240x16xf32, #tpu.memory_space<hbm>> -> memref<10240x16xf32, #tpu.memory_space<hbm>>
    %dma_start3A_64 = tpu.memref_slice %arg12[%dma_start3A_53] : memref<8x!tpu.dma_semaphore, #tpu.memory_space<semaphore_mem>> -> memref<1x!tpu.dma_semaphore, #tpu.memory_space<semaphore_mem>>
    %dma_start3A_65 = tpu.memref_squeeze %dma_start3A_64 : memref<1x!tpu.dma_semaphore, #tpu.memory_space<semaphore_mem>> -> memref<!tpu.dma_semaphore, #tpu.memory_space<semaphore_mem>>
    tpu.enqueue_indirect_dma source(%dma_start3A_63 : memref<10240x16xf32, #tpu.memory_space<hbm>>) target(%dma_start3A_57 : memref<128x16xf32, #tpu.memory_space<vmem>>) offsets(%dma_start3A_60 : memref<128xi32, #tpu.memory_space<vmem>>) semaphore(%dma_start3A_65 : memref<!tpu.dma_semaphore, #tpu.memory_space<semaphore_mem>>)
    %dma_start3A_66 = arith.constant 4 : i32
    %dma_start3A_67 = arith.constant 4 : i32
    %dma_start3A_68 = arith.constant 4 : i32
    %dma_start3A_69 = arith.constant 0 : i32
    %dma_start3A_70 = arith.constant 0 : i32
    %dma_start3A_71 = tpu.memref_slice %arg9[%dma_start3A_67, %dma_start3A_69, %dma_start3A_70] : memref<8x128x16xf32, #tpu.memory_space<vmem>> -> memref<1x128x16xf32, #tpu.memory_space<vmem>>
    %dma_start3A_72 = tpu.memref_squeeze %dma_start3A_71 : memref<1x128x16xf32, #tpu.memory_space<vmem>> -> memref<128x16xf32, #tpu.memory_space<vmem>>
    %dma_start3A_73 = arith.constant 0 : i32
    %dma_start3A_74 = tpu.memref_slice %arg7[%dma_start3A_66, %dma_start3A_73] : memref<80x128xi32, #tpu.memory_space<vmem>> -> memref<1x128xi32, #tpu.memory_space<vmem>>
    %dma_start3A_75 = tpu.memref_squeeze %dma_start3A_74 : memref<1x128xi32, #tpu.memory_space<vmem>> -> memref<128xi32, #tpu.memory_space<vmem>>
    %dma_start3A_76 = arith.constant 0 : i32
    %dma_start3A_77 = arith.constant 0 : i32
    %dma_start3A_78 = tpu.memref_slice %arg2[%dma_start3A_76, %dma_start3A_77] : memref<10240x16xf32, #tpu.memory_space<hbm>> -> memref<10240x16xf32, #tpu.memory_space<hbm>>
    %dma_start3A_79 = tpu.memref_slice %arg12[%dma_start3A_68] : memref<8x!tpu.dma_semaphore, #tpu.memory_space<semaphore_mem>> -> memref<1x!tpu.dma_semaphore, #tpu.memory_space<semaphore_mem>>
    %dma_start3A_80 = tpu.memref_squeeze %dma_start3A_79 : memref<1x!tpu.dma_semaphore, #tpu.memory_space<semaphore_mem>> -> memref<!tpu.dma_semaphore, #tpu.memory_space<semaphore_mem>>
    tpu.enqueue_indirect_dma source(%dma_start3A_78 : memref<10240x16xf32, #tpu.memory_space<hbm>>) target(%dma_start3A_72 : memref<128x16xf32, #tpu.memory_space<vmem>>) offsets(%dma_start3A_75 : memref<128xi32, #tpu.memory_space<vmem>>) semaphore(%dma_start3A_80 : memref<!tpu.dma_semaphore, #tpu.memory_space<semaphore_mem>>)
    %dma_start3A_81 = arith.constant 5 : i32
    %dma_start3A_82 = arith.constant 5 : i32
    %dma_start3A_83 = arith.constant 5 : i32
    %dma_start3A_84 = arith.constant 0 : i32
    %dma_start3A_85 = arith.constant 0 : i32
    %dma_start3A_86 = tpu.memref_slice %arg9[%dma_start3A_82, %dma_start3A_84, %dma_start3A_85] : memref<8x128x16xf32, #tpu.memory_space<vmem>> -> memref<1x128x16xf32, #tpu.memory_space<vmem>>
    %dma_start3A_87 = tpu.memref_squeeze %dma_start3A_86 : memref<1x128x16xf32, #tpu.memory_space<vmem>> -> memref<128x16xf32, #tpu.memory_space<vmem>>
    %dma_start3A_88 = arith.constant 0 : i32
    %dma_start3A_89 = tpu.memref_slice %arg7[%dma_start3A_81, %dma_start3A_88] : memref<80x128xi32, #tpu.memory_space<vmem>> -> memref<1x128xi32, #tpu.memory_space<vmem>>
    %dma_start3A_90 = tpu.memref_squeeze %dma_start3A_89 : memref<1x128xi32, #tpu.memory_space<vmem>> -> memref<128xi32, #tpu.memory_space<vmem>>
    %dma_start3A_91 = arith.constant 0 : i32
    %dma_start3A_92 = arith.constant 0 : i32
    %dma_start3A_93 = tpu.memref_slice %arg2[%dma_start3A_91, %dma_start3A_92] : memref<10240x16xf32, #tpu.memory_space<hbm>> -> memref<10240x16xf32, #tpu.memory_space<hbm>>
    %dma_start3A_94 = tpu.memref_slice %arg12[%dma_start3A_83] : memref<8x!tpu.dma_semaphore, #tpu.memory_space<semaphore_mem>> -> memref<1x!tpu.dma_semaphore, #tpu.memory_space<semaphore_mem>>
    %dma_start3A_95 = tpu.memref_squeeze %dma_start3A_94 : memref<1x!tpu.dma_semaphore, #tpu.memory_space<semaphore_mem>> -> memref<!tpu.dma_semaphore, #tpu.memory_space<semaphore_mem>>
    tpu.enqueue_indirect_dma source(%dma_start3A_93 : memref<10240x16xf32, #tpu.memory_space<hbm>>) target(%dma_start3A_87 : memref<128x16xf32, #tpu.memory_space<vmem>>) offsets(%dma_start3A_90 : memref<128xi32, #tpu.memory_space<vmem>>) semaphore(%dma_start3A_95 : memref<!tpu.dma_semaphore, #tpu.memory_space<semaphore_mem>>)
    %dma_start3A_96 = arith.constant 6 : i32
    %dma_start3A_97 = arith.constant 6 : i32
    %dma_start3A_98 = arith.constant 6 : i32
    %dma_start3A_99 = arith.constant 0 : i32
    %dma_start3A_100 = arith.constant 0 : i32
    %dma_start3A_101 = tpu.memref_slice %arg9[%dma_start3A_97, %dma_start3A_99, %dma_start3A_100] : memref<8x128x16xf32, #tpu.memory_space<vmem>> -> memref<1x128x16xf32, #tpu.memory_space<vmem>>
    %dma_start3A_102 = tpu.memref_squeeze %dma_start3A_101 : memref<1x128x16xf32, #tpu.memory_space<vmem>> -> memref<128x16xf32, #tpu.memory_space<vmem>>
    %dma_start3A_103 = arith.constant 0 : i32
    %dma_start3A_104 = tpu.memref_slice %arg7[%dma_start3A_96, %dma_start3A_103] : memref<80x128xi32, #tpu.memory_space<vmem>> -> memref<1x128xi32, #tpu.memory_space<vmem>>
    %dma_start3A_105 = tpu.memref_squeeze %dma_start3A_104 : memref<1x128xi32, #tpu.memory_space<vmem>> -> memref<128xi32, #tpu.memory_space<vmem>>
    %dma_start3A_106 = arith.constant 0 : i32
    %dma_start3A_107 = arith.constant 0 : i32
    %dma_start3A_108 = tpu.memref_slice %arg2[%dma_start3A_106, %dma_start3A_107] : memref<10240x16xf32, #tpu.memory_space<hbm>> -> memref<10240x16xf32, #tpu.memory_space<hbm>>
    %dma_start3A_109 = tpu.memref_slice %arg12[%dma_start3A_98] : memref<8x!tpu.dma_semaphore, #tpu.memory_space<semaphore_mem>> -> memref<1x!tpu.dma_semaphore, #tpu.memory_space<semaphore_mem>>
    %dma_start3A_110 = tpu.memref_squeeze %dma_start3A_109 : memref<1x!tpu.dma_semaphore, #tpu.memory_space<semaphore_mem>> -> memref<!tpu.dma_semaphore, #tpu.memory_space<semaphore_mem>>
    tpu.enqueue_indirect_dma source(%dma_start3A_108 : memref<10240x16xf32, #tpu.memory_space<hbm>>) target(%dma_start3A_102 : memref<128x16xf32, #tpu.memory_space<vmem>>) offsets(%dma_start3A_105 : memref<128xi32, #tpu.memory_space<vmem>>) semaphore(%dma_start3A_110 : memref<!tpu.dma_semaphore, #tpu.memory_space<semaphore_mem>>)
    %scan3A = arith.constant 0 : i32
    %scan3A_111 = arith.constant 0 : i32
    %scan3A_112 = arith.constant 80 : i32
    %scan3A_113 = arith.addi %scan3A_111, %scan3A_112 : i32
    %scan3A_114 = arith.constant 1 : i32
    scf.for %scan3A_127 = %scan3A_111 to %scan3A_113 step %scan3A_114  : i32 {
      %rem3A = arith.constant 8 : i32
      %rem3A_128 = arith.remsi %scan3A_127, %rem3A : i32
      %dma_wait3A = arith.constant 0 : i32
      %dma_wait3A_129 = arith.constant 0 : i32
      %dma_wait3A_130 = tpu.memref_slice %arg9[%rem3A_128, %dma_wait3A, %dma_wait3A_129] : memref<8x128x16xf32, #tpu.memory_space<vmem>> -> memref<1x128x16xf32, #tpu.memory_space<vmem>>
      %dma_wait3A_131 = tpu.memref_squeeze %dma_wait3A_130 : memref<1x128x16xf32, #tpu.memory_space<vmem>> -> memref<128x16xf32, #tpu.memory_space<vmem>>
      %dma_wait3A_132 = arith.constant 0 : i32
      %dma_wait3A_133 = tpu.memref_slice %arg7[%scan3A_127, %dma_wait3A_132] : memref<80x128xi32, #tpu.memory_space<vmem>> -> memref<1x128xi32, #tpu.memory_space<vmem>>
      %dma_wait3A_134 = tpu.memref_squeeze %dma_wait3A_133 : memref<1x128xi32, #tpu.memory_space<vmem>> -> memref<128xi32, #tpu.memory_space<vmem>>
      %dma_wait3A_135 = arith.constant 0 : i32
      %dma_wait3A_136 = arith.constant 0 : i32
      %dma_wait3A_137 = tpu.memref_slice %arg2[%dma_wait3A_135, %dma_wait3A_136] : memref<10240x16xf32, #tpu.memory_space<hbm>> -> memref<10240x16xf32, #tpu.memory_space<hbm>>
      %dma_wait3A_138 = tpu.memref_slice %arg12[%rem3A_128] : memref<8x!tpu.dma_semaphore, #tpu.memory_space<semaphore_mem>> -> memref<1x!tpu.dma_semaphore, #tpu.memory_space<semaphore_mem>>
      %dma_wait3A_139 = tpu.memref_squeeze %dma_wait3A_138 : memref<1x!tpu.dma_semaphore, #tpu.memory_space<semaphore_mem>> -> memref<!tpu.dma_semaphore, #tpu.memory_space<semaphore_mem>>
      tpu.wait_indirect_dma semaphore(%dma_wait3A_139 : memref<!tpu.dma_semaphore, #tpu.memory_space<semaphore_mem>>) src(%dma_wait3A_137 : memref<10240x16xf32, #tpu.memory_space<hbm>>) dst(%dma_wait3A_131 : memref<128x16xf32, #tpu.memory_space<vmem>>)
      %dma_start3A_140 = arith.constant 0 : i32
      %dma_start3A_141 = arith.constant 0 : i32
      %dma_start3A_142 = tpu.memref_slice %arg9[%rem3A_128, %dma_start3A_140, %dma_start3A_141] : memref<8x128x16xf32, #tpu.memory_space<vmem>> -> memref<1x128x16xf32, #tpu.memory_space<vmem>>
      %dma_start3A_143 = tpu.memref_squeeze %dma_start3A_142 : memref<1x128x16xf32, #tpu.memory_space<vmem>> -> memref<128x16xf32, #tpu.memory_space<vmem>>
      %dma_start3A_144 = arith.constant 0 : i32
      %dma_start3A_145 = tpu.memref_slice %arg8[%scan3A_127, %dma_start3A_144] : memref<80x128xi32, #tpu.memory_space<vmem>> -> memref<1x128xi32, #tpu.memory_space<vmem>>
      %dma_start3A_146 = tpu.memref_squeeze %dma_start3A_145 : memref<1x128xi32, #tpu.memory_space<vmem>> -> memref<128xi32, #tpu.memory_space<vmem>>
      %dma_start3A_147 = arith.constant 0 : i32
      %dma_start3A_148 = arith.constant 0 : i32
      %dma_start3A_149 = tpu.memref_slice %arg11[%dma_start3A_147, %dma_start3A_148] : memref<10240x16xf32, #tpu.memory_space<vmem_shared>> -> memref<10240x16xf32, #tpu.memory_space<vmem_shared>>
      %dma_start3A_150 = tpu.memref_slice %arg13[%rem3A_128] : memref<8x!tpu.dma_semaphore, #tpu.memory_space<semaphore_mem>> -> memref<1x!tpu.dma_semaphore, #tpu.memory_space<semaphore_mem>>
      %dma_start3A_151 = tpu.memref_squeeze %dma_start3A_150 : memref<1x!tpu.dma_semaphore, #tpu.memory_space<semaphore_mem>> -> memref<!tpu.dma_semaphore, #tpu.memory_space<semaphore_mem>>
      tpu.enqueue_indirect_dma source(%dma_start3A_143 : memref<128x16xf32, #tpu.memory_space<vmem>>) target(%dma_start3A_149 : memref<10240x16xf32, #tpu.memory_space<vmem_shared>>) offsets(%dma_start3A_146 : memref<128xi32, #tpu.memory_space<vmem>>) semaphore(%dma_start3A_151 : memref<!tpu.dma_semaphore, #tpu.memory_space<semaphore_mem>>) {add = true}
      %add3A_152 = arith.constant 8 : i32
      %add3A_153 = arith.addi %scan3A_127, %add3A_152 : i32
      %sub3A = arith.constant 1 : i32
      %sub3A_154 = arith.subi %add3A_153, %sub3A : i32
      %lt3A = arith.constant 80 : i32
      %lt3A_155 = arith.cmpi slt, %sub3A_154, %lt3A : i32
      %convert_element_type3A = arith.extui %lt3A_155 : i1 to i32
      %cond3A = arith.constant 0 : i32
      %cond3A_156 = arith.cmpi ne, %convert_element_type3A, %cond3A : i32
      scf.if %cond3A_156 {
        %rem3A_157 = arith.constant 8 : i32
        %rem3A_158 = arith.remsi %sub3A_154, %rem3A_157 : i32
        %ge3A = arith.constant 1 : i32
        %ge3A_159 = arith.cmpi sge, %scan3A_127, %ge3A : i32
        %convert_element_type3A_160 = arith.extui %ge3A_159 : i1 to i32
        %cond3A_161 = arith.constant 0 : i32
        %cond3A_162 = arith.cmpi ne, %convert_element_type3A_160, %cond3A_161 : i32
        scf.if %cond3A_162 {
          %sub3A_175 = arith.constant 1 : i32
          %sub3A_176 = arith.subi %scan3A_127, %sub3A_175 : i32
          %dma_wait3A_177 = arith.constant 0 : i32
          %dma_wait3A_178 = arith.constant 0 : i32
          %dma_wait3A_179 = tpu.memref_slice %arg9[%rem3A_158, %dma_wait3A_177, %dma_wait3A_178] : memref<8x128x16xf32, #tpu.memory_space<vmem>> -> memref<1x128x16xf32, #tpu.memory_space<vmem>>
          %dma_wait3A_180 = tpu.memref_squeeze %dma_wait3A_179 : memref<1x128x16xf32, #tpu.memory_space<vmem>> -> memref<128x16xf32, #tpu.memory_space<vmem>>
          %dma_wait3A_181 = arith.constant 0 : i32
          %dma_wait3A_182 = tpu.memref_slice %arg8[%sub3A_176, %dma_wait3A_181] : memref<80x128xi32, #tpu.memory_space<vmem>> -> memref<1x128xi32, #tpu.memory_space<vmem>>
          %dma_wait3A_183 = tpu.memref_squeeze %dma_wait3A_182 : memref<1x128xi32, #tpu.memory_space<vmem>> -> memref<128xi32, #tpu.memory_space<vmem>>
          %dma_wait3A_184 = arith.constant 0 : i32
          %dma_wait3A_185 = arith.constant 0 : i32
          %dma_wait3A_186 = tpu.memref_slice %arg11[%dma_wait3A_184, %dma_wait3A_185] : memref<10240x16xf32, #tpu.memory_space<vmem_shared>> -> memref<10240x16xf32, #tpu.memory_space<vmem_shared>>
          %dma_wait3A_187 = tpu.memref_slice %arg13[%rem3A_158] : memref<8x!tpu.dma_semaphore, #tpu.memory_space<semaphore_mem>> -> memref<1x!tpu.dma_semaphore, #tpu.memory_space<semaphore_mem>>
          %dma_wait3A_188 = tpu.memref_squeeze %dma_wait3A_187 : memref<1x!tpu.dma_semaphore, #tpu.memory_space<semaphore_mem>> -> memref<!tpu.dma_semaphore, #tpu.memory_space<semaphore_mem>>
          tpu.wait_indirect_dma semaphore(%dma_wait3A_188 : memref<!tpu.dma_semaphore, #tpu.memory_space<semaphore_mem>>) src(%dma_wait3A_180 : memref<128x16xf32, #tpu.memory_space<vmem>>) dst(%dma_wait3A_186 : memref<10240x16xf32, #tpu.memory_space<vmem_shared>>)
        } else {
        }
        %dma_start3A_163 = arith.constant 0 : i32
        %dma_start3A_164 = arith.constant 0 : i32
        %dma_start3A_165 = tpu.memref_slice %arg9[%rem3A_158, %dma_start3A_163, %dma_start3A_164] : memref<8x128x16xf32, #tpu.memory_space<vmem>> -> memref<1x128x16xf32, #tpu.memory_space<vmem>>
        %dma_start3A_166 = tpu.memref_squeeze %dma_start3A_165 : memref<1x128x16xf32, #tpu.memory_space<vmem>> -> memref<128x16xf32, #tpu.memory_space<vmem>>
        %dma_start3A_167 = arith.constant 0 : i32
        %dma_start3A_168 = tpu.memref_slice %arg7[%sub3A_154, %dma_start3A_167] : memref<80x128xi32, #tpu.memory_space<vmem>> -> memref<1x128xi32, #tpu.memory_space<vmem>>
        %dma_start3A_169 = tpu.memref_squeeze %dma_start3A_168 : memref<1x128xi32, #tpu.memory_space<vmem>> -> memref<128xi32, #tpu.memory_space<vmem>>
        %dma_start3A_170 = arith.constant 0 : i32
        %dma_start3A_171 = arith.constant 0 : i32
        %dma_start3A_172 = tpu.memref_slice %arg2[%dma_start3A_170, %dma_start3A_171] : memref<10240x16xf32, #tpu.memory_space<hbm>> -> memref<10240x16xf32, #tpu.memory_space<hbm>>
        %dma_start3A_173 = tpu.memref_slice %arg12[%rem3A_158] : memref<8x!tpu.dma_semaphore, #tpu.memory_space<semaphore_mem>> -> memref<1x!tpu.dma_semaphore, #tpu.memory_space<semaphore_mem>>
        %dma_start3A_174 = tpu.memref_squeeze %dma_start3A_173 : memref<1x!tpu.dma_semaphore, #tpu.memory_space<semaphore_mem>> -> memref<!tpu.dma_semaphore, #tpu.memory_space<semaphore_mem>>
        tpu.enqueue_indirect_dma source(%dma_start3A_172 : memref<10240x16xf32, #tpu.memory_space<hbm>>) target(%dma_start3A_166 : memref<128x16xf32, #tpu.memory_space<vmem>>) offsets(%dma_start3A_169 : memref<128xi32, #tpu.memory_space<vmem>>) semaphore(%dma_start3A_174 : memref<!tpu.dma_semaphore, #tpu.memory_space<semaphore_mem>>)
      } else {
      }
    }
    %scan3A_115 = arith.constant 80 : i32
    %scan3A_116 = arith.constant 0 : i32
    %scan3A_117 = arith.constant 72 : i32
    %scan3A_118 = arith.constant 8 : i32
    %scan3A_119 = arith.addi %scan3A_117, %scan3A_118 : i32
    %scan3A_120 = arith.constant 1 : i32
    scf.for %scan3A_127 = %scan3A_117 to %scan3A_119 step %scan3A_120  : i32 {
      %rem3A = arith.constant 8 : i32
      %rem3A_128 = arith.remsi %scan3A_127, %rem3A : i32
      %dma_wait3A = arith.constant 0 : i32
      %dma_wait3A_129 = arith.constant 0 : i32
      %dma_wait3A_130 = tpu.memref_slice %arg9[%rem3A_128, %dma_wait3A, %dma_wait3A_129] : memref<8x128x16xf32, #tpu.memory_space<vmem>> -> memref<1x128x16xf32, #tpu.memory_space<vmem>>
      %dma_wait3A_131 = tpu.memref_squeeze %dma_wait3A_130 : memref<1x128x16xf32, #tpu.memory_space<vmem>> -> memref<128x16xf32, #tpu.memory_space<vmem>>
      %dma_wait3A_132 = arith.constant 0 : i32
      %dma_wait3A_133 = tpu.memref_slice %arg8[%scan3A_127, %dma_wait3A_132] : memref<80x128xi32, #tpu.memory_space<vmem>> -> memref<1x128xi32, #tpu.memory_space<vmem>>
      %dma_wait3A_134 = tpu.memref_squeeze %dma_wait3A_133 : memref<1x128xi32, #tpu.memory_space<vmem>> -> memref<128xi32, #tpu.memory_space<vmem>>
      %dma_wait3A_135 = arith.constant 0 : i32
      %dma_wait3A_136 = arith.constant 0 : i32
      %dma_wait3A_137 = tpu.memref_slice %arg11[%dma_wait3A_135, %dma_wait3A_136] : memref<10240x16xf32, #tpu.memory_space<vmem_shared>> -> memref<10240x16xf32, #tpu.memory_space<vmem_shared>>
      %dma_wait3A_138 = tpu.memref_slice %arg13[%rem3A_128] : memref<8x!tpu.dma_semaphore, #tpu.memory_space<semaphore_mem>> -> memref<1x!tpu.dma_semaphore, #tpu.memory_space<semaphore_mem>>
      %dma_wait3A_139 = tpu.memref_squeeze %dma_wait3A_138 : memref<1x!tpu.dma_semaphore, #tpu.memory_space<semaphore_mem>> -> memref<!tpu.dma_semaphore, #tpu.memory_space<semaphore_mem>>
      tpu.wait_indirect_dma semaphore(%dma_wait3A_139 : memref<!tpu.dma_semaphore, #tpu.memory_space<semaphore_mem>>) src(%dma_wait3A_131 : memref<128x16xf32, #tpu.memory_space<vmem>>) dst(%dma_wait3A_137 : memref<10240x16xf32, #tpu.memory_space<vmem_shared>>)
    }
    %scan3A_121 = arith.constant 8 : i32
    %barrier3A_122 = arith.constant 0 : index
    tpu.barrier barrier_id(%barrier3A_122)
    %mul3A_123 = arith.constant 640 : i32
    %mul3A_124 = arith.muli %arg1, %mul3A_123 : i32
    "tpu.region"() ({
      %run_scoped3A = tpu.sem_alloc : memref<!tpu.dma_semaphore, #tpu.memory_space<semaphore_mem>>
      %dma_start3A_127 = arith.constant 0 : i32
      %dma_start3A_128 = tpu.memref_slice %arg11[%mul3A_124, %dma_start3A_127] : memref<10240x16xf32, #tpu.memory_space<vmem_shared>> -> memref<640x16xf32, #tpu.memory_space<vmem_shared>>
      %dma_start3A_129 = arith.constant 0 : i32
      %dma_start3A_130 = tpu.memref_slice %arg11[%mul3A_124, %dma_start3A_129] : memref<10240x16xf32, #tpu.memory_space<vmem_shared>> -> memref<640x16xf32, #tpu.memory_space<vmem_shared>>
      tpu.enqueue_dma source(%dma_start3A_130 : memref<640x16xf32, #tpu.memory_space<vmem_shared>>) target(%arg10 : memref<640x16xf32, #tpu.memory_space<vmem>>) target_semaphore(%run_scoped3A : memref<!tpu.dma_semaphore, #tpu.memory_space<semaphore_mem>>)
      %dma_wait3A = arith.constant 0 : i32
      %dma_wait3A_131 = tpu.memref_slice %arg11[%mul3A_124, %dma_wait3A] : memref<10240x16xf32, #tpu.memory_space<vmem_shared>> -> memref<640x16xf32, #tpu.memory_space<vmem_shared>>
      %dma_wait3A_132 = arith.constant 0 : i32
      %dma_wait3A_133 = tpu.memref_slice %arg11[%mul3A_124, %dma_wait3A_132] : memref<10240x16xf32, #tpu.memory_space<vmem_shared>> -> memref<640x16xf32, #tpu.memory_space<vmem_shared>>
      tpu.wait_dma2 semaphore(%run_scoped3A : memref<!tpu.dma_semaphore, #tpu.memory_space<semaphore_mem>>) src(%dma_wait3A_133 : memref<640x16xf32, #tpu.memory_space<vmem_shared>>) dst(%arg10 : memref<640x16xf32, #tpu.memory_space<vmem>>)
      tpu.yield
    }) : () -> ()
    %mul3A_125 = arith.constant 640 : i32
    %mul3A_126 = arith.muli %arg1, %mul3A_125 : i32
    "tpu.region"() ({
      %run_scoped3A = tpu.sem_alloc : memref<!tpu.dma_semaphore, #tpu.memory_space<semaphore_mem>>
      %dma_start3A_127 = arith.constant 0 : i32
      %dma_start3A_128 = tpu.memref_slice %arg6[%arg0, %mul3A_126, %dma_start3A_127] : memref<2x10240x16xf32, #tpu.memory_space<hbm>> -> memref<1x640x16xf32, #tpu.memory_space<hbm>>
      %dma_start3A_129 = tpu.memref_squeeze %dma_start3A_128 : memref<1x640x16xf32, #tpu.memory_space<hbm>> -> memref<640x16xf32, #tpu.memory_space<hbm>>
      %dma_start3A_130 = arith.constant 0 : i32
      %dma_start3A_131 = tpu.memref_slice %arg6[%arg0, %mul3A_126, %dma_start3A_130] : memref<2x10240x16xf32, #tpu.memory_space<hbm>> -> memref<1x640x16xf32, #tpu.memory_space<hbm>>
      %dma_start3A_132 = tpu.memref_squeeze %dma_start3A_131 : memref<1x640x16xf32, #tpu.memory_space<hbm>> -> memref<640x16xf32, #tpu.memory_space<hbm>>
      tpu.enqueue_dma source(%arg10 : memref<640x16xf32, #tpu.memory_space<vmem>>) target(%dma_start3A_132 : memref<640x16xf32, #tpu.memory_space<hbm>>) target_semaphore(%run_scoped3A : memref<!tpu.dma_semaphore, #tpu.memory_space<semaphore_mem>>)
      %dma_wait3A = arith.constant 0 : i32
      %dma_wait3A_133 = tpu.memref_slice %arg6[%arg0, %mul3A_126, %dma_wait3A] : memref<2x10240x16xf32, #tpu.memory_space<hbm>> -> memref<1x640x16xf32, #tpu.memory_space<hbm>>
      %dma_wait3A_134 = tpu.memref_squeeze %dma_wait3A_133 : memref<1x640x16xf32, #tpu.memory_space<hbm>> -> memref<640x16xf32, #tpu.memory_space<hbm>>
      %dma_wait3A_135 = arith.constant 0 : i32
      %dma_wait3A_136 = tpu.memref_slice %arg6[%arg0, %mul3A_126, %dma_wait3A_135] : memref<2x10240x16xf32, #tpu.memory_space<hbm>> -> memref<1x640x16xf32, #tpu.memory_space<hbm>>
      %dma_wait3A_137 = tpu.memref_squeeze %dma_wait3A_136 : memref<1x640x16xf32, #tpu.memory_space<hbm>> -> memref<640x16xf32, #tpu.memory_space<hbm>>
      tpu.wait_dma2 semaphore(%run_scoped3A : memref<!tpu.dma_semaphore, #tpu.memory_space<semaphore_mem>>) src(%arg10 : memref<640x16xf32, #tpu.memory_space<vmem>>) dst(%dma_wait3A_137 : memref<640x16xf32, #tpu.memory_space<hbm>>)
      tpu.yield
    }) : () -> ()
    return
  }
}

module attributes {stable_mosaic.version = 14 : i64} {
  func.func @_mm1_body(%arg0: memref<2x10240xf32, #tpu.memory_space<vmem>>, %arg1: memref<10000x128xf32, #tpu.memory_space<vmem>>, %arg2: memref<128x16xf32, #tpu.memory_space<vmem>>, %arg3: memref<10240x16xf32, #tpu.memory_space<vmem>>, %arg4: memref<10240x16xf32, #tpu.memory_space<vmem>>) attributes {dimension_semantics = [], scalar_prefetch = 0 : i64, scratch_operands = 0 : i64, tpu.core_type = #tpu.core_type<tc>} {
    %get3A = arith.constant 0 : index
    %get3A_0 = arith.constant 0 : index
    %get3A_1 = vector.load %arg0[%get3A, %get3A_0] : memref<2x10240xf32, #tpu.memory_space<vmem>>, vector<1x10240xf32>
    %get3A_2 = arith.constant 1 : index
    %get3A_3 = arith.constant 0 : index
    %get3A_4 = vector.load %arg0[%get3A_2, %get3A_3] : memref<2x10240xf32, #tpu.memory_space<vmem>>, vector<1x10240xf32>
    %add3A = arith.addf %get3A_1, %get3A_4 : vector<1x10240xf32>
    %add3A_5 = arith.constant 1.000000e+00 : f32
    %add3A_6 = vector.broadcast %add3A_5 : f32 to vector<1x10240xf32>
    %add3A_7 = arith.addf %add3A, %add3A_6 : vector<1x10240xf32>
    %rsqrt3A = math.rsqrt %add3A_7 : vector<1x10240xf32>
    %broadcast_in_dim3A = arith.constant 1.000000e+00 : f32
    %broadcast_in_dim3A_8 = vector.broadcast %broadcast_in_dim3A : f32 to vector<1x16xf32>
    %dot_general3A = arith.constant dense<0.000000e+00> : vector<10240x16xf32>
    %dot_general3A_9 = tpu.matmul %rsqrt3A, %broadcast_in_dim3A_8, %dot_general3A {dimension_numbers = #tpu.dot_dimension_numbers<[0], [0], [1], [1], [0, 1, 1, 1], [], []>, transpose_lhs_hint = false} : vector<1x10240xf32>, vector<1x16xf32>, vector<10240x16xf32> -> vector<10240x16xf32>
    %swap3A = arith.constant 0 : index
    %swap3A_10 = arith.constant 0 : index
    %swap3A_11 = vector.load %arg4[%swap3A, %swap3A_10] : memref<10240x16xf32, #tpu.memory_space<vmem>>, vector<10240x16xf32>
    tpu.vector_store %arg4[%swap3A, %swap3A_10], %dot_general3A_9 {strides = array<i32>} : memref<10240x16xf32, #tpu.memory_space<vmem>>, vector<10240x16xf32>,
    %get3A_12 = arith.constant 0 : index
    %get3A_13 = arith.constant 0 : index
    %get3A_14 = vector.load %arg1[%get3A_12, %get3A_13] : memref<10000x128xf32, #tpu.memory_space<vmem>>, vector<10000x128xf32>
    %get3A_15 = arith.constant 0 : index
    %get3A_16 = arith.constant 0 : index
    %get3A_17 = vector.load %arg2[%get3A_15, %get3A_16] : memref<128x16xf32, #tpu.memory_space<vmem>>, vector<128x16xf32>
    %dot_general3A_18 = arith.constant dense<0.000000e+00> : vector<10000x16xf32>
    %dot_general3A_19 = tpu.matmul %get3A_14, %get3A_17, %dot_general3A_18 {dimension_numbers = #tpu.dot_dimension_numbers<[1], [0], [0], [1], [0, 0, 1, 1], [], []>, transpose_lhs_hint = false} : vector<10000x128xf32>, vector<128x16xf32>, vector<10000x16xf32> -> vector<10000x16xf32>
    %slice3A = vector.extract_strided_slice %dot_general3A_9 {offsets = [0, 0], sizes = [10000, 16], strides = [1, 1]} : vector<10240x16xf32> to vector<10000x16xf32>
    %mul3A = arith.mulf %dot_general3A_19, %slice3A : vector<10000x16xf32>
    %swap3A_20 = arith.constant 0 : index
    %swap3A_21 = arith.constant 0 : index
    %swap3A_22 = vector.load %arg3[%swap3A_20, %swap3A_21] : memref<10240x16xf32, #tpu.memory_space<vmem>>, vector<10000x16xf32>
    tpu.vector_store %arg3[%swap3A_20, %swap3A_21], %mul3A {strides = array<i32>} : memref<10240x16xf32, #tpu.memory_space<vmem>>, vector<10000x16xf32>,
    %broadcast_in_dim3A_23 = arith.constant 0.000000e+00 : f32
    %broadcast_in_dim3A_24 = vector.broadcast %broadcast_in_dim3A_23 : f32 to vector<240x16xf32>
    %swap3A_25 = arith.constant 10000 : index
    %swap3A_26 = arith.constant 0 : index
    %swap3A_27 = vector.load %arg3[%swap3A_25, %swap3A_26] : memref<10240x16xf32, #tpu.memory_space<vmem>>, vector<240x16xf32>
    tpu.vector_store %arg3[%swap3A_25, %swap3A_26], %broadcast_in_dim3A_24 {strides = array<i32>} : memref<10240x16xf32, #tpu.memory_space<vmem>>, vector<240x16xf32>,
    return
  }
}

module attributes {stable_mosaic.version = 14 : i64} {
  func.func @_mm2_body(%arg0: memref<10240x16xf32, #tpu.memory_space<vmem>>, %arg1: memref<10240x16xf32, #tpu.memory_space<vmem>>, %arg2: memref<16x16xf32, #tpu.memory_space<vmem>>, %arg3: memref<10240x16xf32, #tpu.memory_space<vmem>>) attributes {dimension_semantics = [], scalar_prefetch = 0 : i64, scratch_operands = 0 : i64, tpu.core_type = #tpu.core_type<tc>} {
    %get3A = arith.constant 0 : index
    %get3A_0 = arith.constant 0 : index
    %get3A_1 = vector.load %arg0[%get3A, %get3A_0] : memref<10240x16xf32, #tpu.memory_space<vmem>>, vector<10240x16xf32>
    %max3A = arith.constant 0.000000e+00 : f32
    %max3A_2 = vector.broadcast %max3A : f32 to vector<10240x16xf32>
    %max3A_3 = arith.maximumf %get3A_1, %max3A_2 : vector<10240x16xf32>
    %get3A_4 = arith.constant 0 : index
    %get3A_5 = arith.constant 0 : index
    %get3A_6 = vector.load %arg2[%get3A_4, %get3A_5] : memref<16x16xf32, #tpu.memory_space<vmem>>, vector<16x16xf32>
    %dot_general3A = arith.constant dense<0.000000e+00> : vector<10240x16xf32>
    %dot_general3A_7 = tpu.matmul %max3A_3, %get3A_6, %dot_general3A {dimension_numbers = #tpu.dot_dimension_numbers<[1], [0], [0], [1], [0, 0, 1, 1], [], []>, transpose_lhs_hint = false} : vector<10240x16xf32>, vector<16x16xf32>, vector<10240x16xf32> -> vector<10240x16xf32>
    %get3A_8 = arith.constant 0 : index
    %get3A_9 = arith.constant 0 : index
    %get3A_10 = vector.load %arg1[%get3A_8, %get3A_9] : memref<10240x16xf32, #tpu.memory_space<vmem>>, vector<10240x16xf32>
    %mul3A = arith.mulf %dot_general3A_7, %get3A_10 : vector<10240x16xf32>
    %swap3A = arith.constant 0 : index
    %swap3A_11 = arith.constant 0 : index
    %swap3A_12 = vector.load %arg3[%swap3A, %swap3A_11] : memref<10240x16xf32, #tpu.memory_space<vmem>>, vector<10240x16xf32>
    tpu.vector_store %arg3[%swap3A, %swap3A_11], %mul3A {strides = array<i32>} : memref<10240x16xf32, #tpu.memory_space<vmem>>, vector<10240x16xf32>,
    return
  }
}

</mosaic_0001>

<sc_bundles>
// kernel: kernel.10.cloned.1.call-start
scs
__scs_entry_jumppad:
0x0: {  	(pc) =	sbr.rel $0x88, $3  }
0x1: {  	(tag) =	ssettag $0x0;
	lr =	simm.s32 $0x1  }
0x2: {  	[smem:$0x3F9B] =	sst lr;
	_ =	strace $0xD0000000  }
0x3: {  	_ = 	snop  }
0x4: {  	_ = 	snop  }
0x5: {  	_ = 	snop  }
0x6: {  	_ = 	snop  }
0x7: {  	_ = 	snop  }
__scs_overlays_trampoline_lowered:
0x8: {  	[smem:$0x3FAA] =	sst s0  }
0x9: {  	[smem:$0x3FAB] =	sst s1  }
0xa: {  	[smem:$0x3FAC] =	sst s2  }
0xb: {  	[smem:$0x3FAD] =	sst s3  }
0xc: {  	[smem:$0x3FAE] =	sst s4  }
0xd: {  	[smem:$0x3FAF] =	sst s5  }
0xe: {  	[smem:$0x3FB0] =	sst s6  }
0xf: {  	[smem:$0x3FB1] =	sst s7  }
0x10: {  	[smem:$0x3FB2] =	sst s8  }
0x11: {  	[smem:$0x3FB3] =	sst s9;
	s0 =	simm.s32 @!p0 $0x0  }
0x12: {  	s1 =	sld [smem:$0x3F99];
	s0 =	simm.s32 @p0 $0x1  }
0x13: {  	[smem:$0x3FB4] =	sst s0;
	s0 =	simm.s32 @!p1 $0x0  }
0x14: {  	s2 =	sld [smem:$0x3F98];
	s0 =	simm.s32 @p1 $0x1  }
0x15: {  	[smem:$0x3FB5] =	sst s0;
	s0 =	simm.s32 @!p2 $0x0  }
0x16: {  	s3 =	sld [smem:$0x3FDB];
	s0 =	simm.s32 @p2 $0x1  }
0x17: {  	s4 =	simm.s32 $0x1BF5;
	[smem:$0x3FB7] =	sst s0  }
0x18: {  	s0 =	sld [smem:$0x3F9A];
	_ =	swait.ge [sflag:s4], $0x0  }
0x19: {  	s7 =	sld [smem:$0x3F9B]  }
0x1a: {  	s8 =	sadd.s32 $0xFFFFE003, lr  }
0x1b: {  	s9 =	sadd.s32 $0xFFFFFEF7, lr;
	s5 =	simm.s32 $0xFFFFFFFF;
	p2 =	slt.u32 s8, $0xFFFFF086  }
0x1c: {  	p1 =	slt.u32 s9, $0xF7A;
	s5 =	simm.s32 @!p2 $0x0  }
0x1d: {  	s5 =	simm.s32 @p1 $0x1;
	p0 =	seq.s32 s7, s2  }
0x1e: {  	s7 =	smul.u32 @!p0 $0xF7A, s2;
	p2 =	seq.s32 @!p0 s5, $0x0  }
0x1f: {  	s9 =	smul.u32 $0xF7A, s1;
	s8 =	simm.s32 @!p0 $0x1BF5;
	p2 =	por !p2, p0  }
0x20: {  	[sflag:s8] =	ssyncset.s32 @!p0 $0xFFFFF086;
	s6 =	sadd.s32 @!p0 s3, s7;
	s7 =	simm.s32 @!p0 $0x108  }
0x21: {  	s3 =	sadd.s32 s3, s9;
	s6 =	sadd.s32 @!p0 $0x88, s6;
	s7 =	simm.s32 @p2 $0x1082  }
0x22: {  	[simem:s7], [sflag:s8] =	dma.local @!p0 [hbm:s6], $0xF7A  }
0x23: {  	s9 =	sor.u32 $0xD0000000, s2;
	s6 =	simm.s32 $0x108;
	_ =	swait.ge @!p0 [sflag:s8], $0x0  }
0x24: {  	s3 =	sadd.s32 $0x88, s3;
	s6 =	simm.s32 @!p1 $0x1082;
	[sflag:s4] =	ssyncset.s32 $0xFFFFF086  }
0x25: {  	[simem:s6], [sflag:s4] =	dma.local [hbm:s3], $0xF7A  }
0x26: {  	[smem:$0x3F9B] =	sst s1;
	(tag) =	ssettag s2;
	_ =	strace s9  }
0x27: {  	s1 =	sld [smem:$0x3FAB]  }
0x28: {  	s2 =	sld [smem:$0x3FAC]  }
0x29: {  	s4 =	sld [smem:$0x3FAE]  }
0x2a: {  	p0 =	seq.s32 s5, $0x0;
	s5 =	sld [smem:$0x3FAF]  }
0x2b: {  	s6 =	sld [smem:$0x3FB0]  }
0x2c: {  	s7 =	sld [smem:$0x3FB1]  }
0x2d: {  	s3 =	simm.s32 $0x108;
	s8 =	sld [smem:$0x3FB2]  }
0x2e: {  	s3 =	simm.s32 @!p0 $0x1082;
	s9 =	sld [smem:$0x3FB3]  }
0x2f: {  	lr =	sadd.s32 s0, s3;
	s0 =	sld [smem:$0x3FAA]  }
0x30: {  	s3 =	sld [smem:$0x3FAD]  }
0x31: {  	[smem:$0x3FB6] =	sst s10  }
0x32: {  	s10 =	sld [smem:$0x3FB4];
	_ =	sdelay $0x3  }
0x33: {  	p0 =	seq.s32 s10, $0x1;
	s10 =	sld [smem:$0x3FB6];
	_ =	sdelay $0x3  }
0x34: {  	[smem:$0x3FB6] =	sst s10  }
0x35: {  	s10 =	sld [smem:$0x3FB5];
	_ =	sdelay $0x3  }
0x36: {  	p1 =	seq.s32 s10, $0x1;
	s10 =	sld [smem:$0x3FB6];
	_ =	sdelay $0x3  }
0x37: {  	[smem:$0x3FB6] =	sst s10  }
0x38: {  	s10 =	sld [smem:$0x3FB7]  }
0x39: {  	_ = 	snop;
	(pc) =	sbr.ind lr, $3  }
0x3a: {  	_ = 	snop  }
0x3b: {  	_ = 	snop  }
0x3c: {  	p2 =	seq.s32 s10, $0x1;
	s10 =	sld [smem:$0x3FB6]  }
0x3d: {  	_ =	shalt  }
0x3e: {  	_ =	shalt  }
0x3f: {  	_ =	shalt  }
0x40: {  	_ =	shalt  }
0x41: {  	_ =	shalt  }
0x42: {  	_ =	shalt  }
0x43: {  	_ =	shalt  }
0x44: {  	_ =	shalt  }
0x45: {  	_ =	shalt  }
0x46: {  	_ =	shalt  }
0x47: {  	_ =	shalt  }
0x48: {  	_ =	shalt  }
0x49: {  	_ =	shalt  }
0x4a: {  	_ =	shalt  }
0x4b: {  	_ =	shalt  }
0x4c: {  	_ =	shalt  }
0x4d: {  	_ =	shalt  }
0x4e: {  	_ =	shalt  }
0x4f: {  	_ =	shalt  }
0x50: {  	_ =	shalt  }
0x51: {  	_ =	shalt  }
0x52: {  	_ =	shalt  }
0x53: {  	_ =	shalt  }
0x54: {  	_ =	shalt  }
0x55: {  	_ =	shalt  }
0x56: {  	_ =	shalt  }
0x57: {  	_ =	shalt  }
0x58: {  	_ =	shalt  }
0x59: {  	_ =	shalt  }
0x5a: {  	_ =	shalt  }
0x5b: {  	_ =	shalt  }
0x5c: {  	_ =	shalt  }
0x5d: {  	_ =	shalt  }
0x5e: {  	_ =	shalt  }
0x5f: {  	_ =	shalt  }
0x60: {  	_ =	shalt  }
0x61: {  	_ =	shalt  }
0x62: {  	_ =	shalt  }
0x63: {  	_ =	shalt  }
0x64: {  	_ =	shalt  }
0x65: {  	_ =	shalt  }
0x66: {  	_ =	shalt  }
0x67: {  	_ =	shalt  }
0x68: {  	_ =	shalt  }
0x69: {  	_ =	shalt  }
0x6a: {  	_ =	shalt  }
0x6b: {  	_ =	shalt  }
0x6c: {  	_ =	shalt  }
0x6d: {  	_ =	shalt  }
0x6e: {  	_ =	shalt  }
0x6f: {  	_ =	shalt  }
0x70: {  	_ =	shalt  }
0x71: {  	_ =	shalt  }
0x72: {  	_ =	shalt  }
0x73: {  	_ =	shalt  }
0x74: {  	_ =	shalt  }
0x75: {  	_ =	shalt  }
0x76: {  	_ =	shalt  }
0x77: {  	_ =	shalt  }
0x78: {  	_ =	shalt  }
0x79: {  	_ =	shalt  }
0x7a: {  	_ =	shalt  }
0x7b: {  	_ =	shalt  }
0x7c: {  	_ =	shalt  }
0x7d: {  	_ =	shalt  }
0x7e: {  	_ =	shalt  }
0x7f: {  	_ =	shalt  }
0x80: {  	_ =	shalt  }
0x81: {  	_ =	shalt  }
0x82: {  	_ =	shalt  }
0x83: {  	_ =	shalt  }
0x84: {  	_ =	shalt  }
0x85: {  	_ =	shalt  }
0x86: {  	_ =	shalt  }
0x87: {  	_ =	shalt  }
.Lfunc_end0:
.L_simem_size_0:
called_computation.1_lowered:
.L_overlay_start_0:
0x88: {  	s2 =	sld [smem:$0x3FD9]  }
0x89: {  	s3 =	sld [smem:$0x3FFE];
	_ =	sdelay $0x1  }
0x8a: {  	s1 =	srdreg.scid  }
0x8b: {  	s0 =	sand.u32 $0x1, s1  }
0x8c: {  	s16 =	sshll.u32 s0, $0xA;
	s2 =	sadd.s32 s3, s2  }
0x8d: {  	s2 =	sadd.s32 s2, s16  }
0x8e: {  	[smem:$0x3FC2] =	sst s2  }
0x8f: {  	_ = 	snop  }
0x90: {  	(tm) =	ssettm $0x1  }
0x91: {  	s17 =	sld [smem:$0x3FFB];
	_ =	sdelay $0x3  }
0x92: {  	_ =	strace s17  }
0x93: {  	s2 =	sld [smem:$0x3FFC];
	_ =	sdelay $0x3  }
0x94: {  	_ =	strace s2  }
0x95: {  	s2 =	sld [smem:$0x3FFD];
	_ =	sdelay $0x3  }
0x96: {  	_ =	strace s2  }
0x97: {  	_ =	strace $0x8FFFFFFF  }
0x98: {  	s18 =	sld [smem:$0x3FDB];
	_ =	sdelay $0x1  }
0x99: {  	s19 =	simm.s32 $_scs_section_size  }
0x9a: {  	s4 =	simm.s32 $_size__tile_overlayer_lowered;
	s5 =	simm.s32 $_tile_overlayer_lowered  }
0x9b: {  	s22 =	simm.s32 $0x1BFF;
	s21 =	sshll.u32 s5, $0x1;
	s2 =	sadd.s32 s19, s18  }
0x9c: {  	s6 =	simm.s32 $0x0;
	s20 =	sshll.u32 s4, $0x1;
	s4 =	sadd.s32 s21, s2  }
0x9d: {  	[timem:s6], [sflag:s22] =	dma.local [hbm:s4], s20  }
0x9e: {  	_ =	swait.ge [sflag:s22], s20  }
0x9f: {  	s3 =	ssub.s32 $0x0, s20;
	[sflag:s22] =	ssyncset.done $0x0  }
0xa0: {  	[sflag:s22] =	ssyncadd.s32 s3;
	_ =	sdelay $0x1  }
0xa1: {  	s23 =	simm.s32 $0x1B8B  }
0xa2: {  	_ =	swait.ge [sflag:s23], $0x1  }
0xa3: {  	[sflag:s23] =	ssyncset.done $0x0  }
0xa4: {  	s25 =	simm.s32 $0x1B8E;
	s24 =	sld [smem:$0x3FFE];
	[sflag:s23] =	ssyncadd.s32 $0xFFFFFFFF  }
0xa5: {  	s26 =	simm.s32 $execute0_lowered;
	[smem:$0x3FD2] =	sst s25  }
0xa6: {  	s4 =	sshll.u32 s26, $0x1;
	_ =	strace $0x80000049;
	[dreg:$0x1] =	wrdreg $0xFFFFFFFF  }
0xa7: {  	s28 =	simm.s32 $_size_execute0_lowered;
	s2 =	sadd.s32 s2, s4;
	[dreg:$0x0] =	wrdreg $0x0  }
0xa8: {  	s4 =	sshll.u32 s28, $0x1;
	[dreg:$0x2] =	wrdreg s2  }
0xa9: {  	[dreg:$0x3] =	wrdreg s4  }
0xaa: {  	[dreg:$0x4] =	wrdreg $0xC0  }
0xab: {  	_ =	task [dreg:s6], $0x5FFFF  }
0xac: {  	[dreg:$0x1] =	wrdreg $0xFFFFFFFF  }
0xad: {  	[dreg:$0x0] =	wrdreg $0x60  }
0xae: {  	[dreg:$0x2] =	wrdreg s24  }
0xaf: {  	[dreg:$0x3] =	wrdreg $0xB8000  }
0xb0: {  	[dreg:$0x4] =	wrdreg $0x9  }
0xb1: {  	_ =	task.clear_ibuf [dreg:s6], $0x5FFFF;
	_ =	strace $0x90000049  }
0xb2: {  	s29 =	simm.s32 $0x9;
	_ =	strace $0x8000004B  }
0xb3: {  	_ =	swait.ge [sflag:s29], $0x1  }
0xb4: {  	[sflag:s29] =	ssyncadd.s32 $0xFFFFFFFF  }
0xb5: {  	_ =	strace $0x9000004B  }
0xb6: {  	_ =	sfence  }
0xb7: {  	s30 =	sld [smem:$0x0];
	_ =	sdelay $0x2  }
0xb8: {  	s31 =	sshll.u32 s1, $0xD;
	s1 =	sshrl.u32 s1, $0x2  }
0xb9: {  	s3 =	sand.u32 $0x4000, s31;
	s1 =	sadd.s32 s1, s30  }
0xba: {  	s0 =	sor.u32 s3, s0;
	s1 =	sshll.u32 s1, $0x11  }
0xbb: {  	s0 =	sor.u32 s1, s0  }
0xbc: {  	s0 =	sadd.s32 $0x8F2B, s0  }
0xbd: {  	[sflag:s0] =	ssyncadd.remote.s32 $0x1  }
0xbe: {  	_ =	sfence.sel $0xFFFF  }
0xbf: {  	[dreg:$0x0] =	wrdreg $0xFFFFFFFF;
	(pc) =	sbr.abs _section_cstart, $3  }
0xc0: {  	[dreg:$0x1] =	wrdreg $0xFFFFFFFF  }
0xc1: {  	_ =	task.clear_ibuf [dreg:s6], $0x2FFFF;
	_ =	strace $0x9FFFFFFF  }
0xc2: {  	(tm) =	ssettm $0x7FFFFFFF  }
0xc3: {  	_ =	shalt  }
tec
execute0_lowered:
.L_overlay_start_1:
0x0: {  	(tag) =	ssettag $0x1  }
0x1: {  	s0 =	rddreg [dreg:$0x0]  }
0x2: {  	s2 =	rddreg [dreg:$0x1]  }
0x3: {  	s3 =	simm.s32 $0x0;
	s1 =	srdreg.scid;
	s5 =	stileid.u32  }
0x4: {  	s11 =	simm.s32 $0x9000;
	s12 =	simm.s32 $0x11;
	s13 =	simm.s32 $0x2800  }
0x5: {  	s14 =	simm.s32 $0x80;
	s15 =	simm.s32 $0x5000;
	s28 =	simm.s32 $0x1  }
0x6: {  	s31 =	simm.s32 $0x9;
	s16 =	simm.s32 $0xC;
	s17 =	simm.s32 $0xD  }
0x7: {  	s18 =	simm.s32 $0xE;
	s19 =	simm.s32 $0xF;
	s20 =	simm.s32 $0x10  }
0x8: {  	s21 =	simm.s32 $0x0;
	s1 =	sand.u32 $0x1, s1;
	s4 =	sshll.u32 s5, $0x1  }
0x9: {  	s5 =	smul.u32 $0x2800, s5;
	[smem:$0x7FF] =	sst s3;
	s9 =	sadd.s32 $0x1A00, s0  }
0xa: {  	s4 =	sor.u32 s1, s4;
	s6 =	smul.u32 $0x28000, s1;
	_ =	strace $0x8000004A  }
0xb: {  	s1 =	ssub.s32 $0x2, s1;
	[dreg:$0x3] =	wrdreg s9;
	s7 =	smul.u32 $0x500, s4  }
0xc: {  	s4 =	sadd.s32 $0x16200, s0;
	s29 =	sshrl.u32 s1, $0x1;
	s6 =	sadd.s32 s5, s6  }
0xd: {  	s1 =	ssub.s32 s1, s29;
	s8 =	sadd.s32 s7, s0;
	s6 =	sshrl.u32 s6, $0x3  }
0xe: {  	s10 =	smax.u32 s1, $0x1;
	s1 =	simm.s32 $0xB;
	s0 =	sadd.s32 s6, s0  }
0xf: {  	s6 =	sadd.s32 s5, s2;
	s30 =	sadd.s32 $0xC200, s8;
	s8 =	sadd.s32 $0x2200, s8  }
0x10: {  	[dreg:$0x4] =	wrdreg s30;
	s9 =	sadd.s32 $0x1B200, s0;
	s0 =	simm.s32 $0xA  }
.LBB2_1:
0x11: {  	s5 =	rddreg [dreg:$0x3]  }
0x12: {  	[tilespmem:s11], [sflag:$0x11] =	stream.linear.gather [hbm4b:s5+s3], $0x2800, $0x38;
	[tilespmem:$0xE000] =	vst v63  }
0x13: {  	_ =	swait.ge [sflag:s12], $0x2800  }
0x14: {  	[sflag:s12] =	ssyncset.done $0x0  }
0x15: {  	[sflag:s12] =	ssyncadd.s32 $0xFFFFD800  }
0x16: {  	[spmem:s6] =	stream.linear.scatter [tilespmem:s11], [sflag:$0x11], $0x2800, $0x38;
	[tilespmem:$0xE000] =	vst v63  }
0x17: {  	_ =	swait.ge [sflag:s12], $0x2800  }
0x18: {  	[sflag:s12] =	ssyncset.done $0x0  }
0x19: {  	s24 =	rddreg [dreg:$0x4];
	[sflag:s12] =	ssyncadd.s32 $0xFFFFD800  }
0x1a: {  	[tilespmem:s3], [sflag:$0x11] =	stream.linear.gather [hbm4b:s24+s3], $0x2800, $0x38;
	[tilespmem:$0xE000] =	vst v63  }
0x1b: {  	_ =	swait.ge [sflag:s12], $0x2800  }
0x1c: {  	[sflag:s12] =	ssyncset.done $0x0  }
0x1d: {  	[sflag:s12] =	ssyncadd.s32 $0xFFFFD800  }
0x1e: {  	[tilespmem:s13], [sflag:$0x11] =	stream.linear.gather [hbm4b:s8+s3], $0x2800, $0x38;
	[tilespmem:$0xE000] =	vst v63  }
0x1f: {  	_ =	swait.ge [sflag:s12], $0x2800  }
0x20: {  	[sflag:s12] =	ssyncset.done $0x0  }
0x21: {  	[sflag:s12] =	ssyncadd.s32 $0xFFFFD800  }
0x22: {  	[bflag:$0x0] =	sbarrier.arrive $0xFFFF  }
0x23: {  	[tilespmem:s15], [sflag:$0x1] =	stream.indirect.gather [hbm4b:s4+s14], $0x10, s3, s14, $0xb8;
	[tilespmem:$0xE000] =	vst v63  }
0x24: {  	s25 =	simm.s32 $0x5800  }
0x25: {  	[tilespmem:s25], [sflag:$0x2] =	stream.indirect.gather [hbm4b:s4+s14], $0x10, s14, s14, $0xb8;
	[tilespmem:$0xE000] =	vst v63  }
0x26: {  	s26 =	simm.s32 $0x100;
	s7 =	simm.s32 $0x6000  }
0x27: {  	[tilespmem:s7], [sflag:$0x3] =	stream.indirect.gather [hbm4b:s4+s14], $0x10, s26, s14, $0xb8;
	[tilespmem:$0xE000] =	vst v63  }
0x28: {  	s22 =	simm.s32 $0x6800;
	s7 =	simm.s32 $0x180  }
0x29: {  	[tilespmem:s22], [sflag:$0x4] =	stream.indirect.gather [hbm4b:s4+s14], $0x10, s7, s14, $0xb8;
	[tilespmem:$0xE000] =	vst v63  }
0x2a: {  	s23 =	simm.s32 $0x200;
	s24 =	simm.s32 $0x7000  }
0x2b: {  	[tilespmem:s24], [sflag:$0x5] =	stream.indirect.gather [hbm4b:s4+s14], $0x10, s23, s14, $0xb8;
	[tilespmem:$0xE000] =	vst v63  }
0x2c: {  	s25 =	simm.s32 $0x280;
	s26 =	simm.s32 $0x7800  }
0x2d: {  	[tilespmem:s26], [sflag:$0x6] =	stream.indirect.gather [hbm4b:s4+s14], $0x10, s25, s14, $0xb8;
	[tilespmem:$0xE000] =	vst v63  }
0x2e: {  	s22 =	simm.s32 $0x300;
	s23 =	simm.s32 $0x8000  }
0x2f: {  	[tilespmem:s23], [sflag:$0x7] =	stream.indirect.gather [hbm4b:s4+s14], $0x10, s22, s14, $0xb8;
	[tilespmem:$0xE000] =	vst v63  }
0x30: {  	p0 =	por $0x0, $0x0;
	_ =	swait.ge [sflag:s28], $0x800  }
0x31: {  	s24 =	simm.s32 $0x380;
	s26 =	simm.s32 $0x1;
	[sflag:s28] =	ssyncset.done $0x0  }
0x32: {  	s25 =	simm.s32 $0x8800;
	s5 =	sand.u32 $0x7, s26;
	[sflag:s28] =	ssyncadd.s32 $0xFFFFF800  }
0x33: {  	[spmem:s2] =	stream.indirect.scatter.add.f32 [tilespmem:s15], [sflag:$0x9], $0x10, s13, s14, $0xb8;
	[tilespmem:$0xE000] =	vst v63  }
0x34: {  	s22 =	simm.s32 $0x400;
	s26 =	sadd.s32 $0x1, s5;
	s23 =	simm.s32 $0x9  }
0x35: {  	[tilespmem:s25], [sflag:$0x8] =	stream.indirect.gather [hbm4b:s4+s14], $0x10, s24, s14, $0xb8;
	[tilespmem:$0xE000] =	vst v63  }
0x36: {  	s29 =	sshll.u32 s5, $0xB;
	s5 =	sadd.s32 $0x9, s5;
	_ =	swait.ge [sflag:s26], $0x800  }
0x37: {  	s29 =	sadd.s32 $0x5000, s29;
	s24 =	simm.s32 $0x8;
	[sflag:s26] =	ssyncset.done $0x0  }
0x38: {  	s25 =	simm.s32 $0x2880;
	s24 =	sand.u32 @!p0 $0x7, s24;
	[sflag:s26] =	ssyncadd.s32 $0xFFFFF800  }
0x39: {  	[spmem:s2] =	stream.indirect.scatter.add.f32 [tilespmem:s29], [sflag:s5], $0x10, s25, s14, $0xb8;
	[tilespmem:$0xE000] =	vst v63  }
0x3a: {  	s26 =	sadd.s32 @!p0 $0x1, s24;
	s29 =	sadd.s32 @!p0 $0x9, s24;
	s5 =	sshll.u32 @!p0 s24, $0xB  }
0x3b: {  	s24 =	simm.s32 $0x2900;
	s25 =	simm.s32 $0x480;
	_ =	swait.ge @!p0 [sflag:s29], $0x800  }
0x3c: {  	s30 =	sadd.s32 @!p0 $0x5000, s5;
	s5 =	simm.s32 @!p0 $0x80;
	[sflag:s29] =	ssyncset.done @!p0 $0x0  }
.LBB2_2:
0x3d: {  	s7 =	sadd.s32 $0xFFFFFFF9, s23  }
0x3e: {  	[sflag:s29] =	ssyncadd.s32 @!p0 $0xFFFFF800;
	s29 =	smov.u32 s23;
	s23 =	sadd.s32 $0x1, s23  }
0x3f: {  	[tilespmem:s30], [sflag:s26] =	stream.indirect.gather @!p0 [hbm4b:s4+s5], $0x10, s22, s5, $0xb8;
	[tilespmem:$0xE000] =	vst v63  }
0x40: {  	s5 =	sand.u32 $0x7, s7;
	p1 =	sne.s32 s23, $0x57;
	s22 =	smov.u32 s25  }
0x41: {  	s26 =	sshll.u32 s5, $0xB;
	s30 =	sadd.s32 $0x1, s5  }
0x42: {  	p0 =	sgt.u32 s7, $0x48;
	_ =	swait.ge [sflag:s30], $0x800  }
0x43: {  	s5 =	sadd.s32 $0x9, s5;
	s7 =	sadd.s32 $0x5000, s26;
	[sflag:s30] =	ssyncset.done $0x0  }
.Ltmp0:
0x44: {  	s26 =	sand.u32 @!p0 $0x7, s29;
	[sflag:s30] =	ssyncadd.s32 $0xFFFFF800;
	(pc) =	sbr.rel @p1 .LBB2_2-.Ltmp0, $4  }
0x45: {  	[spmem:s2] =	stream.indirect.scatter.add.f32 [tilespmem:s7], [sflag:s5], $0x10, s24, s14, $0xb8;
	[tilespmem:$0xE000] =	vst v63  }
0x46: {  	s29 =	sadd.s32 @!p0 $0x9, s26;
	s5 =	sshll.u32 @!p0 s26, $0xB;
	s26 =	sadd.s32 @!p0 $0x1, s26  }
0x47: {  	s24 =	sadd.s32 $0x80, s24;
	s30 =	sadd.s32 @!p0 $0x5000, s5;
	_ =	swait.ge @!p0 [sflag:s29], $0x800  }
0x48: {  	s25 =	sadd.s32 $0x80, s25;
	s5 =	simm.s32 @!p0 $0x80;
	[sflag:s29] =	ssyncset.done @!p0 $0x0  }
0x49: {  	[sflag:s29] =	ssyncadd.s32 @!p0 $0xFFFFF800  }
0x4a: {  	[tilespmem:s30], [sflag:s26] =	stream.indirect.gather @!p0 [hbm4b:s4+s5], $0x10, s22, s5, $0xb8;
	[tilespmem:$0xE000] =	vst v63  }
0x4b: {  	_ =	swait.ge [sflag:s31], $0x800  }
0x4c: {  	[sflag:s31] =	ssyncset.done $0x0  }
0x4d: {  	[sflag:s31] =	ssyncadd.s32 $0xFFFFF800  }
0x4e: {  	_ =	swait.ge [sflag:s0], $0x800  }
0x4f: {  	[sflag:s0] =	ssyncset.done $0x0  }
0x50: {  	[sflag:s0] =	ssyncadd.s32 $0xFFFFF800  }
0x51: {  	_ =	swait.ge [sflag:s1], $0x800  }
0x52: {  	[sflag:s1] =	ssyncset.done $0x0  }
0x53: {  	[sflag:s1] =	ssyncadd.s32 $0xFFFFF800  }
0x54: {  	_ =	swait.ge [sflag:s16], $0x800  }
0x55: {  	[sflag:s16] =	ssyncset.done $0x0  }
0x56: {  	[sflag:s16] =	ssyncadd.s32 $0xFFFFF800  }
0x57: {  	_ =	swait.ge [sflag:s17], $0x800  }
0x58: {  	[sflag:s17] =	ssyncset.done $0x0  }
0x59: {  	[sflag:s17] =	ssyncadd.s32 $0xFFFFF800  }
0x5a: {  	_ =	swait.ge [sflag:s18], $0x800  }
0x5b: {  	[sflag:s18] =	ssyncset.done $0x0  }
0x5c: {  	[sflag:s18] =	ssyncadd.s32 $0xFFFFF800  }
0x5d: {  	_ =	swait.ge [sflag:s19], $0x800  }
0x5e: {  	[sflag:s19] =	ssyncset.done $0x0  }
0x5f: {  	[sflag:s19] =	ssyncadd.s32 $0xFFFFF800  }
0x60: {  	_ =	swait.ge [sflag:s20], $0x800  }
0x61: {  	[sflag:s20] =	ssyncset.done $0x0  }
0x62: {  	[sflag:s20] =	ssyncadd.s32 $0xFFFFF800  }
0x63: {  	[bflag:$0x0] =	sbarrier.arrive $0xFFFF  }
0x64: {  	[tilespmem:s11], [sflag:$0x11] =	stream.linear.gather [spmem:s6], $0x2800, $0x38;
	[tilespmem:$0xE000] =	vst v63  }
0x65: {  	s21 =	sadd.s32 $0x1, s21;
	_ =	swait.ge [sflag:s12], $0x2800  }
0x66: {  	p0 =	sne.s32 s21, s10;
	[sflag:s12] =	ssyncset.done $0x0  }
.Ltmp1:
0x67: {  	[sflag:s12] =	ssyncadd.s32 $0xFFFFD800;
	(pc) =	sbr.rel @p0 .LBB2_1-.Ltmp1, $4  }
0x68: {  	[hbm4b:s9+s3] =	stream.linear.scatter [tilespmem:s11], [sflag:$0x11], $0x2800, $0x38;
	[tilespmem:$0xE000] =	vst v63  }
0x69: {  	_ =	swait.ge [sflag:s12], $0x2800  }
0x6a: {  	[sflag:s12] =	ssyncset.done $0x0  }
0x6b: {  	[sflag:s12] =	ssyncadd.s32 $0xFFFFD800  }
0x6c: {  	_ =	sfence.sel $0x180000  }
0x6d: {  	[bflag:$0x0] =	sbarrier.arrive $0xFFFF  }
0x6e: {  	_ =	strace $0x9000004A  }
0x6f: {  	s0 =	stileid.u32;
	[bflag:$0x2] =	sbarrier.arrive $0xFFFF  }
0x70: {  	p0 =	sne.s32 s0, $0x0;
	s0 =	rddreg [dreg:$0x2]  }
0x71: {  	s0 =	sadd.s32 @!p0 $0x100000, s0  }
0x72: {  	[sflag:s0] =	ssyncadd.tile.s32 @!p0 $0x1;
	_ =	shalt  }
.Lfunc_end2:
_tile_overlayer_lowered:
.L_overlay_start_2:
0x73: {  	(tag) =	ssettag $0x2  }
0x74: {  	s0 =	rddreg [dreg:$0x0];
	s2 =	stileid.u32  }
0x75: {  	s1 =	rddreg [dreg:$0x1];
	p0 =	sne.s32 s2, $0x0  }
0x76: {  	s3 =	rddreg [dreg:$0x2];
	[bflag:$0x3] =	sbarrier.arrive $0xFFFF;
	s2 =	simm.s32 @!p0 $0x1C11  }
0x77: {  	[timem:s3], [sflag:s2] =	dma.local @!p0 [hbm:s0], s1  }
0x78: {  	s0 =	simm.s32 @!p0 $0x11  }
0x79: {  	_ =	swait.ge @!p0 [sflag:s0], s1  }
0x7a: {  	s1 =	ssub.s32 @!p0 $0x0, s1;
	[sflag:s0] =	ssyncset.done @!p0 $0x0  }
0x7b: {  	[sflag:s0] =	ssyncadd.s32 @!p0 s1  }
0x7c: {  	[bflag:$0x3] =	sbarrier.arrive $0xFFFF  }
0x7d: {  	_ =	shalt  }

// kernel: kernel.13.cloned.1.call-start
scs
__scs_entry_jumppad:
0x0: {  	(pc) =	sbr.rel $0x88, $3  }
0x1: {  	(tag) =	ssettag $0x0;
	lr =	simm.s32 $0x1  }
0x2: {  	[smem:$0x3F9B] =	sst lr;
	_ =	strace $0xD0000000  }
0x3: {  	_ = 	snop  }
0x4: {  	_ = 	snop  }
0x5: {  	_ = 	snop  }
0x6: {  	_ = 	snop  }
0x7: {  	_ = 	snop  }
__scs_overlays_trampoline_lowered:
0x8: {  	[smem:$0x3FAA] =	sst s0  }
0x9: {  	[smem:$0x3FAB] =	sst s1  }
0xa: {  	[smem:$0x3FAC] =	sst s2  }
0xb: {  	[smem:$0x3FAD] =	sst s3  }
0xc: {  	[smem:$0x3FAE] =	sst s4  }
0xd: {  	[smem:$0x3FAF] =	sst s5  }
0xe: {  	[smem:$0x3FB0] =	sst s6  }
0xf: {  	[smem:$0x3FB1] =	sst s7  }
0x10: {  	[smem:$0x3FB2] =	sst s8  }
0x11: {  	[smem:$0x3FB3] =	sst s9;
	s0 =	simm.s32 @!p0 $0x0  }
0x12: {  	s1 =	sld [smem:$0x3F99];
	s0 =	simm.s32 @p0 $0x1  }
0x13: {  	[smem:$0x3FB4] =	sst s0;
	s0 =	simm.s32 @!p1 $0x0  }
0x14: {  	s2 =	sld [smem:$0x3F98];
	s0 =	simm.s32 @p1 $0x1  }
0x15: {  	[smem:$0x3FB5] =	sst s0;
	s0 =	simm.s32 @!p2 $0x0  }
0x16: {  	s3 =	sld [smem:$0x3FDB];
	s0 =	simm.s32 @p2 $0x1  }
0x17: {  	s4 =	simm.s32 $0x1BF5;
	[smem:$0x3FB7] =	sst s0  }
0x18: {  	s0 =	sld [smem:$0x3F9A];
	_ =	swait.ge [sflag:s4], $0x0  }
0x19: {  	s7 =	sld [smem:$0x3F9B]  }
0x1a: {  	s8 =	sadd.s32 $0xFFFFE003, lr  }
0x1b: {  	s9 =	sadd.s32 $0xFFFFFEF7, lr;
	s5 =	simm.s32 $0xFFFFFFFF;
	p2 =	slt.u32 s8, $0xFFFFF086  }
0x1c: {  	p1 =	slt.u32 s9, $0xF7A;
	s5 =	simm.s32 @!p2 $0x0  }
0x1d: {  	s5 =	simm.s32 @p1 $0x1;
	p0 =	seq.s32 s7, s2  }
0x1e: {  	s7 =	smul.u32 @!p0 $0xF7A, s2;
	p2 =	seq.s32 @!p0 s5, $0x0  }
0x1f: {  	s9 =	smul.u32 $0xF7A, s1;
	s8 =	simm.s32 @!p0 $0x1BF5;
	p2 =	por !p2, p0  }
0x20: {  	[sflag:s8] =	ssyncset.s32 @!p0 $0xFFFFF086;
	s6 =	sadd.s32 @!p0 s3, s7;
	s7 =	simm.s32 @!p0 $0x108  }
0x21: {  	s3 =	sadd.s32 s3, s9;
	s6 =	sadd.s32 @!p0 $0x88, s6;
	s7 =	simm.s32 @p2 $0x1082  }
0x22: {  	[simem:s7], [sflag:s8] =	dma.local @!p0 [hbm:s6], $0xF7A  }
0x23: {  	s9 =	sor.u32 $0xD0000000, s2;
	s6 =	simm.s32 $0x108;
	_ =	swait.ge @!p0 [sflag:s8], $0x0  }
0x24: {  	s3 =	sadd.s32 $0x88, s3;
	s6 =	simm.s32 @!p1 $0x1082;
	[sflag:s4] =	ssyncset.s32 $0xFFFFF086  }
0x25: {  	[simem:s6], [sflag:s4] =	dma.local [hbm:s3], $0xF7A  }
0x26: {  	[smem:$0x3F9B] =	sst s1;
	(tag) =	ssettag s2;
	_ =	strace s9  }
0x27: {  	s1 =	sld [smem:$0x3FAB]  }
0x28: {  	s2 =	sld [smem:$0x3FAC]  }
0x29: {  	s4 =	sld [smem:$0x3FAE]  }
0x2a: {  	p0 =	seq.s32 s5, $0x0;
	s5 =	sld [smem:$0x3FAF]  }
0x2b: {  	s6 =	sld [smem:$0x3FB0]  }
0x2c: {  	s7 =	sld [smem:$0x3FB1]  }
0x2d: {  	s3 =	simm.s32 $0x108;
	s8 =	sld [smem:$0x3FB2]  }
0x2e: {  	s3 =	simm.s32 @!p0 $0x1082;
	s9 =	sld [smem:$0x3FB3]  }
0x2f: {  	lr =	sadd.s32 s0, s3;
	s0 =	sld [smem:$0x3FAA]  }
0x30: {  	s3 =	sld [smem:$0x3FAD]  }
0x31: {  	[smem:$0x3FB6] =	sst s10  }
0x32: {  	s10 =	sld [smem:$0x3FB4];
	_ =	sdelay $0x3  }
0x33: {  	p0 =	seq.s32 s10, $0x1;
	s10 =	sld [smem:$0x3FB6];
	_ =	sdelay $0x3  }
0x34: {  	[smem:$0x3FB6] =	sst s10  }
0x35: {  	s10 =	sld [smem:$0x3FB5];
	_ =	sdelay $0x3  }
0x36: {  	p1 =	seq.s32 s10, $0x1;
	s10 =	sld [smem:$0x3FB6];
	_ =	sdelay $0x3  }
0x37: {  	[smem:$0x3FB6] =	sst s10  }
0x38: {  	s10 =	sld [smem:$0x3FB7]  }
0x39: {  	_ = 	snop;
	(pc) =	sbr.ind lr, $3  }
0x3a: {  	_ = 	snop  }
0x3b: {  	_ = 	snop  }
0x3c: {  	p2 =	seq.s32 s10, $0x1;
	s10 =	sld [smem:$0x3FB6]  }
0x3d: {  	_ =	shalt  }
0x3e: {  	_ =	shalt  }
0x3f: {  	_ =	shalt  }
0x40: {  	_ =	shalt  }
0x41: {  	_ =	shalt  }
0x42: {  	_ =	shalt  }
0x43: {  	_ =	shalt  }
0x44: {  	_ =	shalt  }
0x45: {  	_ =	shalt  }
0x46: {  	_ =	shalt  }
0x47: {  	_ =	shalt  }
0x48: {  	_ =	shalt  }
0x49: {  	_ =	shalt  }
0x4a: {  	_ =	shalt  }
0x4b: {  	_ =	shalt  }
0x4c: {  	_ =	shalt  }
0x4d: {  	_ =	shalt  }
0x4e: {  	_ =	shalt  }
0x4f: {  	_ =	shalt  }
0x50: {  	_ =	shalt  }
0x51: {  	_ =	shalt  }
0x52: {  	_ =	shalt  }
0x53: {  	_ =	shalt  }
0x54: {  	_ =	shalt  }
0x55: {  	_ =	shalt  }
0x56: {  	_ =	shalt  }
0x57: {  	_ =	shalt  }
0x58: {  	_ =	shalt  }
0x59: {  	_ =	shalt  }
0x5a: {  	_ =	shalt  }
0x5b: {  	_ =	shalt  }
0x5c: {  	_ =	shalt  }
0x5d: {  	_ =	shalt  }
0x5e: {  	_ =	shalt  }
0x5f: {  	_ =	shalt  }
0x60: {  	_ =	shalt  }
0x61: {  	_ =	shalt  }
0x62: {  	_ =	shalt  }
0x63: {  	_ =	shalt  }
0x64: {  	_ =	shalt  }
0x65: {  	_ =	shalt  }
0x66: {  	_ =	shalt  }
0x67: {  	_ =	shalt  }
0x68: {  	_ =	shalt  }
0x69: {  	_ =	shalt  }
0x6a: {  	_ =	shalt  }
0x6b: {  	_ =	shalt  }
0x6c: {  	_ =	shalt  }
0x6d: {  	_ =	shalt  }
0x6e: {  	_ =	shalt  }
0x6f: {  	_ =	shalt  }
0x70: {  	_ =	shalt  }
0x71: {  	_ =	shalt  }
0x72: {  	_ =	shalt  }
0x73: {  	_ =	shalt  }
0x74: {  	_ =	shalt  }
0x75: {  	_ =	shalt  }
0x76: {  	_ =	shalt  }
0x77: {  	_ =	shalt  }
0x78: {  	_ =	shalt  }
0x79: {  	_ =	shalt  }
0x7a: {  	_ =	shalt  }
0x7b: {  	_ =	shalt  }
0x7c: {  	_ =	shalt  }
0x7d: {  	_ =	shalt  }
0x7e: {  	_ =	shalt  }
0x7f: {  	_ =	shalt  }
0x80: {  	_ =	shalt  }
0x81: {  	_ =	shalt  }
0x82: {  	_ =	shalt  }
0x83: {  	_ =	shalt  }
0x84: {  	_ =	shalt  }
0x85: {  	_ =	shalt  }
0x86: {  	_ =	shalt  }
0x87: {  	_ =	shalt  }
.Lfunc_end0:
.L_simem_size_0:
called_computation.2_lowered:
.L_overlay_start_0:
0x88: {  	s2 =	sld [smem:$0x3FD9]  }
0x89: {  	s3 =	sld [smem:$0x3FFE];
	_ =	sdelay $0x1  }
0x8a: {  	s1 =	srdreg.scid  }
0x8b: {  	s0 =	sand.u32 $0x1, s1  }
0x8c: {  	s16 =	sshll.u32 s0, $0xA;
	s2 =	sadd.s32 s3, s2  }
0x8d: {  	s2 =	sadd.s32 s2, s16  }
0x8e: {  	[smem:$0x3FC2] =	sst s2  }
0x8f: {  	_ = 	snop  }
0x90: {  	(tm) =	ssettm $0x1  }
0x91: {  	s17 =	sld [smem:$0x3FFB];
	_ =	sdelay $0x3  }
0x92: {  	_ =	strace s17  }
0x93: {  	s2 =	sld [smem:$0x3FFC];
	_ =	sdelay $0x3  }
0x94: {  	_ =	strace s2  }
0x95: {  	s2 =	sld [smem:$0x3FFD];
	_ =	sdelay $0x3  }
0x96: {  	_ =	strace s2  }
0x97: {  	_ =	strace $0x8FFFFFFF  }
0x98: {  	s18 =	sld [smem:$0x3FDB];
	_ =	sdelay $0x1  }
0x99: {  	s19 =	simm.s32 $_scs_section_size  }
0x9a: {  	s4 =	simm.s32 $_size__tile_overlayer_lowered;
	s5 =	simm.s32 $_tile_overlayer_lowered  }
0x9b: {  	s22 =	simm.s32 $0x1BFF;
	s21 =	sshll.u32 s5, $0x1;
	s2 =	sadd.s32 s19, s18  }
0x9c: {  	s6 =	simm.s32 $0x0;
	s20 =	sshll.u32 s4, $0x1;
	s4 =	sadd.s32 s21, s2  }
0x9d: {  	[timem:s6], [sflag:s22] =	dma.local [hbm:s4], s20  }
0x9e: {  	_ =	swait.ge [sflag:s22], s20  }
0x9f: {  	s3 =	ssub.s32 $0x0, s20;
	[sflag:s22] =	ssyncset.done $0x0  }
0xa0: {  	[sflag:s22] =	ssyncadd.s32 s3;
	_ =	sdelay $0x1  }
0xa1: {  	s23 =	simm.s32 $0x1B8B  }
0xa2: {  	_ =	swait.ge [sflag:s23], $0x1  }
0xa3: {  	[sflag:s23] =	ssyncset.done $0x0  }
0xa4: {  	s25 =	simm.s32 $0x1B8E;
	s24 =	sld [smem:$0x3FFE];
	[sflag:s23] =	ssyncadd.s32 $0xFFFFFFFF  }
0xa5: {  	s26 =	simm.s32 $execute0_lowered;
	[smem:$0x3FD2] =	sst s25  }
0xa6: {  	s4 =	sshll.u32 s26, $0x1;
	_ =	strace $0x8000004C;
	[dreg:$0x1] =	wrdreg $0xFFFFFFFF  }
0xa7: {  	s28 =	simm.s32 $_size_execute0_lowered;
	s2 =	sadd.s32 s2, s4;
	[dreg:$0x0] =	wrdreg $0x0  }
0xa8: {  	s4 =	sshll.u32 s28, $0x1;
	[dreg:$0x2] =	wrdreg s2  }
0xa9: {  	[dreg:$0x3] =	wrdreg s4  }
0xaa: {  	[dreg:$0x4] =	wrdreg $0xC0  }
0xab: {  	_ =	task [dreg:s6], $0x5FFFF  }
0xac: {  	[dreg:$0x1] =	wrdreg $0xFFFFFFFF  }
0xad: {  	[dreg:$0x0] =	wrdreg $0x60  }
0xae: {  	[dreg:$0x2] =	wrdreg s24  }
0xaf: {  	[dreg:$0x3] =	wrdreg $0xB8000  }
0xb0: {  	[dreg:$0x4] =	wrdreg $0x9  }
0xb1: {  	_ =	task.clear_ibuf [dreg:s6], $0x5FFFF;
	_ =	strace $0x9000004C  }
0xb2: {  	s29 =	simm.s32 $0x9;
	_ =	strace $0x8000004E  }
0xb3: {  	_ =	swait.ge [sflag:s29], $0x1  }
0xb4: {  	[sflag:s29] =	ssyncadd.s32 $0xFFFFFFFF  }
0xb5: {  	_ =	strace $0x9000004E  }
0xb6: {  	_ =	sfence  }
0xb7: {  	s30 =	sld [smem:$0x0];
	_ =	sdelay $0x2  }
0xb8: {  	s31 =	sshll.u32 s1, $0xD;
	s1 =	sshrl.u32 s1, $0x2  }
0xb9: {  	s3 =	sand.u32 $0x4000, s31;
	s1 =	sadd.s32 s1, s30  }
0xba: {  	s0 =	sor.u32 s3, s0;
	s1 =	sshll.u32 s1, $0x11  }
0xbb: {  	s0 =	sor.u32 s1, s0  }
0xbc: {  	s0 =	sadd.s32 $0x8F2B, s0  }
0xbd: {  	[sflag:s0] =	ssyncadd.remote.s32 $0x1  }
0xbe: {  	_ =	sfence.sel $0xFFFF  }
0xbf: {  	[dreg:$0x0] =	wrdreg $0xFFFFFFFF;
	(pc) =	sbr.abs _section_cstart, $3  }
0xc0: {  	[dreg:$0x1] =	wrdreg $0xFFFFFFFF  }
0xc1: {  	_ =	task.clear_ibuf [dreg:s6], $0x2FFFF;
	_ =	strace $0x9FFFFFFF  }
0xc2: {  	(tm) =	ssettm $0x7FFFFFFF  }
0xc3: {  	_ =	shalt  }
tec
execute0_lowered:
.L_overlay_start_1:
0x0: {  	(tag) =	ssettag $0x1  }
0x1: {  	s0 =	rddreg [dreg:$0x0]  }
0x2: {  	s2 =	rddreg [dreg:$0x1]  }
0x3: {  	s3 =	simm.s32 $0x0;
	s1 =	srdreg.scid;
	s5 =	stileid.u32  }
0x4: {  	s11 =	simm.s32 $0x9000;
	s12 =	simm.s32 $0x11;
	s13 =	simm.s32 $0x2800  }
0x5: {  	s14 =	simm.s32 $0x80;
	s15 =	simm.s32 $0x5000;
	s28 =	simm.s32 $0x1  }
0x6: {  	s31 =	simm.s32 $0x9;
	s16 =	simm.s32 $0xC;
	s17 =	simm.s32 $0xD  }
0x7: {  	s18 =	simm.s32 $0xE;
	s19 =	simm.s32 $0xF;
	s20 =	simm.s32 $0x10  }
0x8: {  	s21 =	simm.s32 $0x0;
	s1 =	sand.u32 $0x1, s1;
	s4 =	sshll.u32 s5, $0x1  }
0x9: {  	s5 =	smul.u32 $0x2800, s5;
	[smem:$0x7FF] =	sst s3;
	s9 =	sadd.s32 $0x1A00, s0  }
0xa: {  	s4 =	sor.u32 s1, s4;
	s6 =	smul.u32 $0x28000, s1;
	_ =	strace $0x8000004D  }
0xb: {  	s1 =	ssub.s32 $0x2, s1;
	[dreg:$0x3] =	wrdreg s9;
	s7 =	smul.u32 $0x500, s4  }
0xc: {  	s4 =	sadd.s32 $0x16200, s0;
	s29 =	sshrl.u32 s1, $0x1;
	s6 =	sadd.s32 s5, s6  }
0xd: {  	s1 =	ssub.s32 s1, s29;
	s8 =	sadd.s32 s7, s0;
	s6 =	sshrl.u32 s6, $0x3  }
0xe: {  	s10 =	smax.u32 s1, $0x1;
	s1 =	simm.s32 $0xB;
	s0 =	sadd.s32 s6, s0  }
0xf: {  	s6 =	sadd.s32 s5, s2;
	s30 =	sadd.s32 $0xC200, s8;
	s8 =	sadd.s32 $0x2200, s8  }
0x10: {  	[dreg:$0x4] =	wrdreg s30;
	s9 =	sadd.s32 $0x1B200, s0;
	s0 =	simm.s32 $0xA  }
.LBB2_1:
0x11: {  	s5 =	rddreg [dreg:$0x3]  }
0x12: {  	[tilespmem:s11], [sflag:$0x11] =	stream.linear.gather [hbm4b:s5+s3], $0x2800, $0x38;
	[tilespmem:$0xE000] =	vst v63  }
0x13: {  	_ =	swait.ge [sflag:s12], $0x2800  }
0x14: {  	[sflag:s12] =	ssyncset.done $0x0  }
0x15: {  	[sflag:s12] =	ssyncadd.s32 $0xFFFFD800  }
0x16: {  	[spmem:s6] =	stream.linear.scatter [tilespmem:s11], [sflag:$0x11], $0x2800, $0x38;
	[tilespmem:$0xE000] =	vst v63  }
0x17: {  	_ =	swait.ge [sflag:s12], $0x2800  }
0x18: {  	[sflag:s12] =	ssyncset.done $0x0  }
0x19: {  	s24 =	rddreg [dreg:$0x4];
	[sflag:s12] =	ssyncadd.s32 $0xFFFFD800  }
0x1a: {  	[tilespmem:s3], [sflag:$0x11] =	stream.linear.gather [hbm4b:s24+s3], $0x2800, $0x38;
	[tilespmem:$0xE000] =	vst v63  }
0x1b: {  	_ =	swait.ge [sflag:s12], $0x2800  }
0x1c: {  	[sflag:s12] =	ssyncset.done $0x0  }
0x1d: {  	[sflag:s12] =	ssyncadd.s32 $0xFFFFD800  }
0x1e: {  	[tilespmem:s13], [sflag:$0x11] =	stream.linear.gather [hbm4b:s8+s3], $0x2800, $0x38;
	[tilespmem:$0xE000] =	vst v63  }
0x1f: {  	_ =	swait.ge [sflag:s12], $0x2800  }
0x20: {  	[sflag:s12] =	ssyncset.done $0x0  }
0x21: {  	[sflag:s12] =	ssyncadd.s32 $0xFFFFD800  }
0x22: {  	[bflag:$0x0] =	sbarrier.arrive $0xFFFF  }
0x23: {  	[tilespmem:s15], [sflag:$0x1] =	stream.indirect.gather [hbm4b:s4+s14], $0x10, s3, s14, $0xb8;
	[tilespmem:$0xE000] =	vst v63  }
0x24: {  	s25 =	simm.s32 $0x5800  }
0x25: {  	[tilespmem:s25], [sflag:$0x2] =	stream.indirect.gather [hbm4b:s4+s14], $0x10, s14, s14, $0xb8;
	[tilespmem:$0xE000] =	vst v63  }
0x26: {  	s26 =	simm.s32 $0x100;
	s7 =	simm.s32 $0x6000  }
0x27: {  	[tilespmem:s7], [sflag:$0x3] =	stream.indirect.gather [hbm4b:s4+s14], $0x10, s26, s14, $0xb8;
	[tilespmem:$0xE000] =	vst v63  }
0x28: {  	s22 =	simm.s32 $0x6800;
	s7 =	simm.s32 $0x180  }
0x29: {  	[tilespmem:s22], [sflag:$0x4] =	stream.indirect.gather [hbm4b:s4+s14], $0x10, s7, s14, $0xb8;
	[tilespmem:$0xE000] =	vst v63  }
0x2a: {  	s23 =	simm.s32 $0x200;
	s24 =	simm.s32 $0x7000  }
0x2b: {  	[tilespmem:s24], [sflag:$0x5] =	stream.indirect.gather [hbm4b:s4+s14], $0x10, s23, s14, $0xb8;
	[tilespmem:$0xE000] =	vst v63  }
0x2c: {  	s25 =	simm.s32 $0x280;
	s26 =	simm.s32 $0x7800  }
0x2d: {  	[tilespmem:s26], [sflag:$0x6] =	stream.indirect.gather [hbm4b:s4+s14], $0x10, s25, s14, $0xb8;
	[tilespmem:$0xE000] =	vst v63  }
0x2e: {  	s22 =	simm.s32 $0x300;
	s23 =	simm.s32 $0x8000  }
0x2f: {  	[tilespmem:s23], [sflag:$0x7] =	stream.indirect.gather [hbm4b:s4+s14], $0x10, s22, s14, $0xb8;
	[tilespmem:$0xE000] =	vst v63  }
0x30: {  	p0 =	por $0x0, $0x0;
	_ =	swait.ge [sflag:s28], $0x800  }
0x31: {  	s24 =	simm.s32 $0x380;
	s26 =	simm.s32 $0x1;
	[sflag:s28] =	ssyncset.done $0x0  }
0x32: {  	s25 =	simm.s32 $0x8800;
	s5 =	sand.u32 $0x7, s26;
	[sflag:s28] =	ssyncadd.s32 $0xFFFFF800  }
0x33: {  	[spmem:s2] =	stream.indirect.scatter.add.f32 [tilespmem:s15], [sflag:$0x9], $0x10, s13, s14, $0xb8;
	[tilespmem:$0xE000] =	vst v63  }
0x34: {  	s22 =	simm.s32 $0x400;
	s26 =	sadd.s32 $0x1, s5;
	s23 =	simm.s32 $0x9  }
0x35: {  	[tilespmem:s25], [sflag:$0x8] =	stream.indirect.gather [hbm4b:s4+s14], $0x10, s24, s14, $0xb8;
	[tilespmem:$0xE000] =	vst v63  }
0x36: {  	s29 =	sshll.u32 s5, $0xB;
	s5 =	sadd.s32 $0x9, s5;
	_ =	swait.ge [sflag:s26], $0x800  }
0x37: {  	s29 =	sadd.s32 $0x5000, s29;
	s24 =	simm.s32 $0x8;
	[sflag:s26] =	ssyncset.done $0x0  }
0x38: {  	s25 =	simm.s32 $0x2880;
	s24 =	sand.u32 @!p0 $0x7, s24;
	[sflag:s26] =	ssyncadd.s32 $0xFFFFF800  }
0x39: {  	[spmem:s2] =	stream.indirect.scatter.add.f32 [tilespmem:s29], [sflag:s5], $0x10, s25, s14, $0xb8;
	[tilespmem:$0xE000] =	vst v63  }
0x3a: {  	s26 =	sadd.s32 @!p0 $0x1, s24;
	s29 =	sadd.s32 @!p0 $0x9, s24;
	s5 =	sshll.u32 @!p0 s24, $0xB  }
0x3b: {  	s24 =	simm.s32 $0x2900;
	s25 =	simm.s32 $0x480;
	_ =	swait.ge @!p0 [sflag:s29], $0x800  }
0x3c: {  	s30 =	sadd.s32 @!p0 $0x5000, s5;
	s5 =	simm.s32 @!p0 $0x80;
	[sflag:s29] =	ssyncset.done @!p0 $0x0  }
.LBB2_2:
0x3d: {  	s7 =	sadd.s32 $0xFFFFFFF9, s23  }
0x3e: {  	[sflag:s29] =	ssyncadd.s32 @!p0 $0xFFFFF800;
	s29 =	smov.u32 s23;
	s23 =	sadd.s32 $0x1, s23  }
0x3f: {  	[tilespmem:s30], [sflag:s26] =	stream.indirect.gather @!p0 [hbm4b:s4+s5], $0x10, s22, s5, $0xb8;
	[tilespmem:$0xE000] =	vst v63  }
0x40: {  	s5 =	sand.u32 $0x7, s7;
	p1 =	sne.s32 s23, $0x57;
	s22 =	smov.u32 s25  }
0x41: {  	s26 =	sshll.u32 s5, $0xB;
	s30 =	sadd.s32 $0x1, s5  }
0x42: {  	p0 =	sgt.u32 s7, $0x48;
	_ =	swait.ge [sflag:s30], $0x800  }
0x43: {  	s5 =	sadd.s32 $0x9, s5;
	s7 =	sadd.s32 $0x5000, s26;
	[sflag:s30] =	ssyncset.done $0x0  }
.Ltmp0:
0x44: {  	s26 =	sand.u32 @!p0 $0x7, s29;
	[sflag:s30] =	ssyncadd.s32 $0xFFFFF800;
	(pc) =	sbr.rel @p1 .LBB2_2-.Ltmp0, $4  }
0x45: {  	[spmem:s2] =	stream.indirect.scatter.add.f32 [tilespmem:s7], [sflag:s5], $0x10, s24, s14, $0xb8;
	[tilespmem:$0xE000] =	vst v63  }
0x46: {  	s29 =	sadd.s32 @!p0 $0x9, s26;
	s5 =	sshll.u32 @!p0 s26, $0xB;
	s26 =	sadd.s32 @!p0 $0x1, s26  }
0x47: {  	s24 =	sadd.s32 $0x80, s24;
	s30 =	sadd.s32 @!p0 $0x5000, s5;
	_ =	swait.ge @!p0 [sflag:s29], $0x800  }
0x48: {  	s25 =	sadd.s32 $0x80, s25;
	s5 =	simm.s32 @!p0 $0x80;
	[sflag:s29] =	ssyncset.done @!p0 $0x0  }
0x49: {  	[sflag:s29] =	ssyncadd.s32 @!p0 $0xFFFFF800  }
0x4a: {  	[tilespmem:s30], [sflag:s26] =	stream.indirect.gather @!p0 [hbm4b:s4+s5], $0x10, s22, s5, $0xb8;
	[tilespmem:$0xE000] =	vst v63  }
0x4b: {  	_ =	swait.ge [sflag:s31], $0x800  }
0x4c: {  	[sflag:s31] =	ssyncset.done $0x0  }
0x4d: {  	[sflag:s31] =	ssyncadd.s32 $0xFFFFF800  }
0x4e: {  	_ =	swait.ge [sflag:s0], $0x800  }
0x4f: {  	[sflag:s0] =	ssyncset.done $0x0  }
0x50: {  	[sflag:s0] =	ssyncadd.s32 $0xFFFFF800  }
0x51: {  	_ =	swait.ge [sflag:s1], $0x800  }
0x52: {  	[sflag:s1] =	ssyncset.done $0x0  }
0x53: {  	[sflag:s1] =	ssyncadd.s32 $0xFFFFF800  }
0x54: {  	_ =	swait.ge [sflag:s16], $0x800  }
0x55: {  	[sflag:s16] =	ssyncset.done $0x0  }
0x56: {  	[sflag:s16] =	ssyncadd.s32 $0xFFFFF800  }
0x57: {  	_ =	swait.ge [sflag:s17], $0x800  }
0x58: {  	[sflag:s17] =	ssyncset.done $0x0  }
0x59: {  	[sflag:s17] =	ssyncadd.s32 $0xFFFFF800  }
0x5a: {  	_ =	swait.ge [sflag:s18], $0x800  }
0x5b: {  	[sflag:s18] =	ssyncset.done $0x0  }
0x5c: {  	[sflag:s18] =	ssyncadd.s32 $0xFFFFF800  }
0x5d: {  	_ =	swait.ge [sflag:s19], $0x800  }
0x5e: {  	[sflag:s19] =	ssyncset.done $0x0  }
0x5f: {  	[sflag:s19] =	ssyncadd.s32 $0xFFFFF800  }
0x60: {  	_ =	swait.ge [sflag:s20], $0x800  }
0x61: {  	[sflag:s20] =	ssyncset.done $0x0  }
0x62: {  	[sflag:s20] =	ssyncadd.s32 $0xFFFFF800  }
0x63: {  	[bflag:$0x0] =	sbarrier.arrive $0xFFFF  }
0x64: {  	[tilespmem:s11], [sflag:$0x11] =	stream.linear.gather [spmem:s6], $0x2800, $0x38;
	[tilespmem:$0xE000] =	vst v63  }
0x65: {  	s21 =	sadd.s32 $0x1, s21;
	_ =	swait.ge [sflag:s12], $0x2800  }
0x66: {  	p0 =	sne.s32 s21, s10;
	[sflag:s12] =	ssyncset.done $0x0  }
.Ltmp1:
0x67: {  	[sflag:s12] =	ssyncadd.s32 $0xFFFFD800;
	(pc) =	sbr.rel @p0 .LBB2_1-.Ltmp1, $4  }
0x68: {  	[hbm4b:s9+s3] =	stream.linear.scatter [tilespmem:s11], [sflag:$0x11], $0x2800, $0x38;
	[tilespmem:$0xE000] =	vst v63  }
0x69: {  	_ =	swait.ge [sflag:s12], $0x2800  }
0x6a: {  	[sflag:s12] =	ssyncset.done $0x0  }
0x6b: {  	[sflag:s12] =	ssyncadd.s32 $0xFFFFD800  }
0x6c: {  	_ =	sfence.sel $0x180000  }
0x6d: {  	[bflag:$0x0] =	sbarrier.arrive $0xFFFF  }
0x6e: {  	_ =	strace $0x9000004D  }
0x6f: {  	s0 =	stileid.u32;
	[bflag:$0x2] =	sbarrier.arrive $0xFFFF  }
0x70: {  	p0 =	sne.s32 s0, $0x0;
	s0 =	rddreg [dreg:$0x2]  }
0x71: {  	s0 =	sadd.s32 @!p0 $0x100000, s0  }
0x72: {  	[sflag:s0] =	ssyncadd.tile.s32 @!p0 $0x1;
	_ =	shalt  }
.Lfunc_end2:
_tile_overlayer_lowered:
.L_overlay_start_2:
0x73: {  	(tag) =	ssettag $0x2  }
0x74: {  	s0 =	rddreg [dreg:$0x0];
	s2 =	stileid.u32  }
0x75: {  	s1 =	rddreg [dreg:$0x1];
	p0 =	sne.s32 s2, $0x0  }
0x76: {  	s3 =	rddreg [dreg:$0x2];
	[bflag:$0x3] =	sbarrier.arrive $0xFFFF;
	s2 =	simm.s32 @!p0 $0x1C11  }
0x77: {  	[timem:s3], [sflag:s2] =	dma.local @!p0 [hbm:s0], s1  }
0x78: {  	s0 =	simm.s32 @!p0 $0x11  }
0x79: {  	_ =	swait.ge @!p0 [sflag:s0], s1  }
0x7a: {  	s1 =	ssub.s32 @!p0 $0x0, s1;
	[sflag:s0] =	ssyncset.done @!p0 $0x0  }
0x7b: {  	[sflag:s0] =	ssyncadd.s32 @!p0 s1  }
0x7c: {  	[bflag:$0x3] =	sbarrier.arrive $0xFFFF  }
0x7d: {  	_ =	shalt  }

// kernel: kernel.7.cloned.1.call-start
scs
__scs_entry_jumppad:
0x0: {  	(pc) =	sbr.rel $0x88, $3  }
0x1: {  	(tag) =	ssettag $0x0;
	lr =	simm.s32 $0x1  }
0x2: {  	[smem:$0x3F9B] =	sst lr;
	_ =	strace $0xD0000000  }
0x3: {  	_ = 	snop  }
0x4: {  	_ = 	snop  }
0x5: {  	_ = 	snop  }
0x6: {  	_ = 	snop  }
0x7: {  	_ = 	snop  }
__scs_overlays_trampoline_lowered:
0x8: {  	[smem:$0x3FAA] =	sst s0  }
0x9: {  	[smem:$0x3FAB] =	sst s1  }
0xa: {  	[smem:$0x3FAC] =	sst s2  }
0xb: {  	[smem:$0x3FAD] =	sst s3  }
0xc: {  	[smem:$0x3FAE] =	sst s4  }
0xd: {  	[smem:$0x3FAF] =	sst s5  }
0xe: {  	[smem:$0x3FB0] =	sst s6  }
0xf: {  	[smem:$0x3FB1] =	sst s7  }
0x10: {  	[smem:$0x3FB2] =	sst s8  }
0x11: {  	[smem:$0x3FB3] =	sst s9;
	s0 =	simm.s32 @!p0 $0x0  }
0x12: {  	s1 =	sld [smem:$0x3F99];
	s0 =	simm.s32 @p0 $0x1  }
0x13: {  	[smem:$0x3FB4] =	sst s0;
	s0 =	simm.s32 @!p1 $0x0  }
0x14: {  	s2 =	sld [smem:$0x3F98];
	s0 =	simm.s32 @p1 $0x1  }
0x15: {  	[smem:$0x3FB5] =	sst s0;
	s0 =	simm.s32 @!p2 $0x0  }
0x16: {  	s3 =	sld [smem:$0x3FDB];
	s0 =	simm.s32 @p2 $0x1  }
0x17: {  	s4 =	simm.s32 $0x1BF5;
	[smem:$0x3FB7] =	sst s0  }
0x18: {  	s0 =	sld [smem:$0x3F9A];
	_ =	swait.ge [sflag:s4], $0x0  }
0x19: {  	s7 =	sld [smem:$0x3F9B]  }
0x1a: {  	s8 =	sadd.s32 $0xFFFFE003, lr  }
0x1b: {  	s9 =	sadd.s32 $0xFFFFFEF7, lr;
	s5 =	simm.s32 $0xFFFFFFFF;
	p2 =	slt.u32 s8, $0xFFFFF086  }
0x1c: {  	p1 =	slt.u32 s9, $0xF7A;
	s5 =	simm.s32 @!p2 $0x0  }
0x1d: {  	s5 =	simm.s32 @p1 $0x1;
	p0 =	seq.s32 s7, s2  }
0x1e: {  	s7 =	smul.u32 @!p0 $0xF7A, s2;
	p2 =	seq.s32 @!p0 s5, $0x0  }
0x1f: {  	s9 =	smul.u32 $0xF7A, s1;
	s8 =	simm.s32 @!p0 $0x1BF5;
	p2 =	por !p2, p0  }
0x20: {  	[sflag:s8] =	ssyncset.s32 @!p0 $0xFFFFF086;
	s6 =	sadd.s32 @!p0 s3, s7;
	s7 =	simm.s32 @!p0 $0x108  }
0x21: {  	s3 =	sadd.s32 s3, s9;
	s6 =	sadd.s32 @!p0 $0x88, s6;
	s7 =	simm.s32 @p2 $0x1082  }
0x22: {  	[simem:s7], [sflag:s8] =	dma.local @!p0 [hbm:s6], $0xF7A  }
0x23: {  	s9 =	sor.u32 $0xD0000000, s2;
	s6 =	simm.s32 $0x108;
	_ =	swait.ge @!p0 [sflag:s8], $0x0  }
0x24: {  	s3 =	sadd.s32 $0x88, s3;
	s6 =	simm.s32 @!p1 $0x1082;
	[sflag:s4] =	ssyncset.s32 $0xFFFFF086  }
0x25: {  	[simem:s6], [sflag:s4] =	dma.local [hbm:s3], $0xF7A  }
0x26: {  	[smem:$0x3F9B] =	sst s1;
	(tag) =	ssettag s2;
	_ =	strace s9  }
0x27: {  	s1 =	sld [smem:$0x3FAB]  }
0x28: {  	s2 =	sld [smem:$0x3FAC]  }
0x29: {  	s4 =	sld [smem:$0x3FAE]  }
0x2a: {  	p0 =	seq.s32 s5, $0x0;
	s5 =	sld [smem:$0x3FAF]  }
0x2b: {  	s6 =	sld [smem:$0x3FB0]  }
0x2c: {  	s7 =	sld [smem:$0x3FB1]  }
0x2d: {  	s3 =	simm.s32 $0x108;
	s8 =	sld [smem:$0x3FB2]  }
0x2e: {  	s3 =	simm.s32 @!p0 $0x1082;
	s9 =	sld [smem:$0x3FB3]  }
0x2f: {  	lr =	sadd.s32 s0, s3;
	s0 =	sld [smem:$0x3FAA]  }
0x30: {  	s3 =	sld [smem:$0x3FAD]  }
0x31: {  	[smem:$0x3FB6] =	sst s10  }
0x32: {  	s10 =	sld [smem:$0x3FB4];
	_ =	sdelay $0x3  }
0x33: {  	p0 =	seq.s32 s10, $0x1;
	s10 =	sld [smem:$0x3FB6];
	_ =	sdelay $0x3  }
0x34: {  	[smem:$0x3FB6] =	sst s10  }
0x35: {  	s10 =	sld [smem:$0x3FB5];
	_ =	sdelay $0x3  }
0x36: {  	p1 =	seq.s32 s10, $0x1;
	s10 =	sld [smem:$0x3FB6];
	_ =	sdelay $0x3  }
0x37: {  	[smem:$0x3FB6] =	sst s10  }
0x38: {  	s10 =	sld [smem:$0x3FB7]  }
0x39: {  	_ = 	snop;
	(pc) =	sbr.ind lr, $3  }
0x3a: {  	_ = 	snop  }
0x3b: {  	_ = 	snop  }
0x3c: {  	p2 =	seq.s32 s10, $0x1;
	s10 =	sld [smem:$0x3FB6]  }
0x3d: {  	_ =	shalt  }
0x3e: {  	_ =	shalt  }
0x3f: {  	_ =	shalt  }
0x40: {  	_ =	shalt  }
0x41: {  	_ =	shalt  }
0x42: {  	_ =	shalt  }
0x43: {  	_ =	shalt  }
0x44: {  	_ =	shalt  }
0x45: {  	_ =	shalt  }
0x46: {  	_ =	shalt  }
0x47: {  	_ =	shalt  }
0x48: {  	_ =	shalt  }
0x49: {  	_ =	shalt  }
0x4a: {  	_ =	shalt  }
0x4b: {  	_ =	shalt  }
0x4c: {  	_ =	shalt  }
0x4d: {  	_ =	shalt  }
0x4e: {  	_ =	shalt  }
0x4f: {  	_ =	shalt  }
0x50: {  	_ =	shalt  }
0x51: {  	_ =	shalt  }
0x52: {  	_ =	shalt  }
0x53: {  	_ =	shalt  }
0x54: {  	_ =	shalt  }
0x55: {  	_ =	shalt  }
0x56: {  	_ =	shalt  }
0x57: {  	_ =	shalt  }
0x58: {  	_ =	shalt  }
0x59: {  	_ =	shalt  }
0x5a: {  	_ =	shalt  }
0x5b: {  	_ =	shalt  }
0x5c: {  	_ =	shalt  }
0x5d: {  	_ =	shalt  }
0x5e: {  	_ =	shalt  }
0x5f: {  	_ =	shalt  }
0x60: {  	_ =	shalt  }
0x61: {  	_ =	shalt  }
0x62: {  	_ =	shalt  }
0x63: {  	_ =	shalt  }
0x64: {  	_ =	shalt  }
0x65: {  	_ =	shalt  }
0x66: {  	_ =	shalt  }
0x67: {  	_ =	shalt  }
0x68: {  	_ =	shalt  }
0x69: {  	_ =	shalt  }
0x6a: {  	_ =	shalt  }
0x6b: {  	_ =	shalt  }
0x6c: {  	_ =	shalt  }
0x6d: {  	_ =	shalt  }
0x6e: {  	_ =	shalt  }
0x6f: {  	_ =	shalt  }
0x70: {  	_ =	shalt  }
0x71: {  	_ =	shalt  }
0x72: {  	_ =	shalt  }
0x73: {  	_ =	shalt  }
0x74: {  	_ =	shalt  }
0x75: {  	_ =	shalt  }
0x76: {  	_ =	shalt  }
0x77: {  	_ =	shalt  }
0x78: {  	_ =	shalt  }
0x79: {  	_ =	shalt  }
0x7a: {  	_ =	shalt  }
0x7b: {  	_ =	shalt  }
0x7c: {  	_ =	shalt  }
0x7d: {  	_ =	shalt  }
0x7e: {  	_ =	shalt  }
0x7f: {  	_ =	shalt  }
0x80: {  	_ =	shalt  }
0x81: {  	_ =	shalt  }
0x82: {  	_ =	shalt  }
0x83: {  	_ =	shalt  }
0x84: {  	_ =	shalt  }
0x85: {  	_ =	shalt  }
0x86: {  	_ =	shalt  }
0x87: {  	_ =	shalt  }
.Lfunc_end0:
.L_simem_size_0:
called_computation_lowered:
.L_overlay_start_0:
0x88: {  	s2 =	sld [smem:$0x3FD9]  }
0x89: {  	s3 =	sld [smem:$0x3FFE];
	_ =	sdelay $0x1  }
0x8a: {  	s1 =	srdreg.scid  }
0x8b: {  	s0 =	sand.u32 $0x1, s1  }
0x8c: {  	s17 =	sshll.u32 s0, $0xA;
	s2 =	sadd.s32 s3, s2  }
0x8d: {  	s2 =	sadd.s32 s2, s17  }
0x8e: {  	[smem:$0x3FC2] =	sst s2  }
0x8f: {  	_ = 	snop  }
0x90: {  	s2 =	sld [smem:$0x3FC8]  }
0x91: {  	s18 =	sld [smem:$0x3FD0];
	(tm) =	ssettm $0x1  }
0x92: {  	s4 =	sld [smem:$0x3FFB];
	_ =	sdelay $0x3  }
0x93: {  	_ =	strace s4  }
0x94: {  	s4 =	sld [smem:$0x3FFC];
	_ =	sdelay $0x3  }
0x95: {  	_ =	strace s4  }
0x96: {  	s4 =	sld [smem:$0x3FFD];
	_ =	sdelay $0x3  }
0x97: {  	_ =	strace s4  }
0x98: {  	_ =	strace $0x8FFFFFFF  }
0x99: {  	s19 =	sld [smem:$0x3FDB];
	_ =	sdelay $0x1  }
0x9a: {  	s5 =	simm.s32 $_scs_section_size  }
0x9b: {  	s6 =	simm.s32 $_size__tile_overlayer_lowered;
	s7 =	simm.s32 $_tile_overlayer_lowered  }
0x9c: {  	s22 =	simm.s32 $0x1BFF;
	s21 =	sshll.u32 s7, $0x1;
	s4 =	sadd.s32 s5, s19  }
0x9d: {  	s8 =	simm.s32 $0x0;
	s20 =	sshll.u32 s6, $0x1;
	s6 =	sadd.s32 s21, s4  }
0x9e: {  	[timem:s8], [sflag:s22] =	dma.local [hbm:s6], s20  }
0x9f: {  	_ =	swait.ge [sflag:s22], s20  }
0xa0: {  	s5 =	ssub.s32 $0x0, s20;
	[sflag:s22] =	ssyncset.done $0x0  }
0xa1: {  	[sflag:s22] =	ssyncadd.s32 s5;
	_ =	sdelay $0x1  }
0xa2: {  	s23 =	simm.s32 $0x1B8B  }
0xa3: {  	_ =	swait.ge [sflag:s23], $0x1  }
0xa4: {  	[sflag:s23] =	ssyncset.done $0x0  }
0xa5: {  	s25 =	simm.s32 $0x1B8E;
	s24 =	sld [smem:$0x3FFE];
	[sflag:s23] =	ssyncadd.s32 $0xFFFFFFFF  }
0xa6: {  	s26 =	simm.s32 $execute0_lowered;
	[smem:$0x3FD2] =	sst s25  }
0xa7: {  	s6 =	sshll.u32 s26, $0x1;
	_ =	strace $0x80000046;
	[dreg:$0x1] =	wrdreg $0xFFFFFFFF  }
0xa8: {  	s28 =	simm.s32 $_size_execute0_lowered;
	s4 =	sadd.s32 s4, s6;
	[dreg:$0x0] =	wrdreg $0x0  }
0xa9: {  	s6 =	sshll.u32 s28, $0x1;
	[dreg:$0x2] =	wrdreg s4  }
0xaa: {  	[dreg:$0x3] =	wrdreg s6  }
0xab: {  	[dreg:$0x4] =	wrdreg $0xC0  }
0xac: {  	_ =	task [dreg:s8], $0x5FFFF  }
0xad: {  	[dreg:$0x1] =	wrdreg $0xFFFFFFFF  }
0xae: {  	[dreg:$0x0] =	wrdreg $0x60  }
0xaf: {  	[dreg:$0x2] =	wrdreg s2  }
0xb0: {  	[dreg:$0x3] =	wrdreg s24  }
0xb1: {  	[dreg:$0x4] =	wrdreg s18  }
0xb2: {  	[dreg:$0x5] =	wrdreg $0x30800  }
0xb3: {  	[dreg:$0x6] =	wrdreg $0x9  }
0xb4: {  	_ =	task.clear_ibuf [dreg:s8], $0x7FFFF;
	_ =	strace $0x90000046  }
0xb5: {  	s29 =	simm.s32 $0x9;
	_ =	strace $0x80000048  }
0xb6: {  	_ =	swait.ge [sflag:s29], $0x1  }
0xb7: {  	[sflag:s29] =	ssyncadd.s32 $0xFFFFFFFF  }
0xb8: {  	_ =	strace $0x90000048  }
0xb9: {  	_ =	sfence  }
0xba: {  	s30 =	sld [smem:$0x0];
	_ =	sdelay $0x2  }
0xbb: {  	s31 =	sshll.u32 s1, $0xD;
	s1 =	sshrl.u32 s1, $0x2  }
0xbc: {  	s3 =	sand.u32 $0x4000, s31;
	s1 =	sadd.s32 s1, s30  }
0xbd: {  	s0 =	sor.u32 s3, s0;
	s1 =	sshll.u32 s1, $0x11  }
0xbe: {  	s0 =	sor.u32 s1, s0  }
0xbf: {  	s0 =	sadd.s32 $0x8F2B, s0  }
0xc0: {  	[sflag:s0] =	ssyncadd.remote.s32 $0x1  }
0xc1: {  	_ =	sfence.sel $0xFFFF  }
0xc2: {  	[dreg:$0x0] =	wrdreg $0xFFFFFFFF;
	(pc) =	sbr.abs _section_cstart, $3  }
0xc3: {  	[dreg:$0x1] =	wrdreg $0xFFFFFFFF  }
0xc4: {  	_ =	task.clear_ibuf [dreg:s8], $0x2FFFF;
	_ =	strace $0x9FFFFFFF  }
0xc5: {  	(tm) =	ssettm $0x7FFFFFFF  }
tec
execute0_lowered:
.L_overlay_start_1:
0x0: {  	(tag) =	ssettag $0x1  }
0x1: {  	s0 =	rddreg [dreg:$0x0]  }
0x2: {  	s3 =	rddreg [dreg:$0x1]  }
0x3: {  	s4 =	rddreg [dreg:$0x2];
	s2 =	srdreg.scid  }
0x4: {  	s7 =	stileid.u32;
	s1 =	rddreg [dreg:$0x3]  }
0x5: {  	s28 =	simm.s32 $0x11;
	s31 =	simm.s32 $0x1;
	s30 =	simm.s32 $0x0  }
0x6: {  	s8 =	sand.u32 $0x1, s2;
	s5 =	sshll.u32 s7, $0x1;
	s2 =	simm.s32 $0x0  }
0x7: {  	s19 =	sadd.s32 $0x2000, s3;
	s3 =	sadd.s32 $0x1A00, s3;
	s15 =	smul.u32 $0x9C, s7  }
0x8: {  	p0 =	slt.u32 s7, $0x2;
	s5 =	sor.u32 s8, s5;
	s25 =	smul.u32 $0x500, s8  }
0x9: {  	[smem:$0x7FF] =	sst s2;
	s10 =	ssub.s32 $0x2, s8;
	s8 =	smul.u32 $0x4E, s8  }
0xa: {  	s6 =	smul.u32 $0x4E, s5;
	_ =	strace $0x80000047;
	s9 =	smin.u32 s5, $0x4  }
0xb: {  	[dreg:$0x5] =	wrdreg s19;
	s21 =	sshrl.u32 s10, $0x1;
	s5 =	simm.s32 $0x4F  }
0xc: {  	[dreg:$0x6] =	wrdreg s3;
	s3 =	ssub.s32 s10, s21;
	s5 =	simm.s32 @!p0 $0x4E  }
0xd: {  	s4 =	sadd.s32 s4, s25;
	p0 =	sne.s32 s7, $0x0;
	s20 =	sadd.s32 s9, s6  }
0xe: {  	[dreg:$0xd] =	wrdreg s4;
	s3 =	smax.u32 s3, $0x1;
	s13 =	sand.u32 $0x7, s5  }
0xf: {  	s14 =	sadd.s32 $0x1, s5;
	s17 =	sadd.s32 $0xFFFFFFFF, s5;
	s11 =	sshll.u32 s20, $0x5  }
0x10: {  	[dreg:$0xe] =	wrdreg s3;
	s16 =	sadd.s32 $0x9, s13;
	s6 =	sadd.s32 s0, s11  }
0x11: {  	s3 =	sand.u32 $0x7, s14;
	s20 =	sand.u32 $0x1, s5;
	s22 =	sadd.s32 $0x20, s6  }
0x12: {  	s21 =	sand.u32 $0x3, s17;
	s23 =	sadd.s32 $0x40, s6;
	[dreg:$0x7] =	wrdreg s22  }
0x13: {  	s11 =	sadd.s32 $0xE0, s11;
	s24 =	sadd.s32 $0x60, s6;
	[dreg:$0x8] =	wrdreg s23  }
0x14: {  	s18 =	sadd.s32 $0x9, s3;
	s12 =	sadd.s32 $0x80, s6;
	[dreg:$0x9] =	wrdreg s24  }
0x15: {  	s19 =	sadd.s32 $0x9, s20;
	s26 =	sadd.s32 $0xA0, s6;
	[dreg:$0xa] =	wrdreg s12  }
0x16: {  	s29 =	sadd.s32 $0xC0, s6;
	s11 =	sand.u32 $0x1FFFFFE0, s11;
	[dreg:$0xb] =	wrdreg s26  }
0x17: {  	s20 =	sadd.s32 $0x9, s21;
	[dreg:$0xc] =	wrdreg s29;
	s12 =	sadd.s32 s0, s11  }
0x18: {  	s22 =	sadd.s32 s8, s15;
	s23 =	sand.u32 $0x3, s5;
	s24 =	sadd.s32 $0x5, s5  }
0x19: {  	s26 =	sadd.s32 $0x6, s5;
	s29 =	sand.u32 $0x7, s17;
	[dreg:$0xf] =	wrdreg s12  }
0x1a: {  	s3 =	sadd.s32 s9, s22;
	s21 =	sadd.s32 $0x9, s23;
	s25 =	sand.u32 $0x7, s24  }
0x1b: {  	s24 =	sadd.s32 $0x9, s29;
	s3 =	sshll.u32 s3, $0x5;
	s22 =	sadd.s32 $0x9, s25  }
0x1c: {  	s0 =	sadd.s32 s0, s3;
	s3 =	sand.u32 $0x5, s26;
	s26 =	simm.s32 $0x800  }
0x1d: {  	s23 =	sadd.s32 $0x9, s3;
	s11 =	sadd.s32 $0x100, s0;
	s0 =	simm.s32 $0x80  }
.LBB2_1:
0x1e: {  	s3 =	rddreg [dreg:$0x5]  }
0x1f: {  	[tilespmem:s26], [sflag:$0x11] =	stream.linear.gather [hbm4b:s3+s2], $0x80, $0x38;
	[tilespmem:$0x3300] =	vst v63  }
0x20: {  	_ =	swait.ge [sflag:s28], $0x80  }
0x21: {  	s4 =	simm.s32 @!p0 $0x880;
	s29 =	simm.s32 @!p0 $0x11;
	[sflag:s28] =	ssyncset.done $0x0  }
0x22: {  	s3 =	simm.s32 @!p0 $0x0;
	s7 =	rddreg [dreg:$0x6];
	[sflag:s28] =	ssyncadd.s32 $0xFFFFFF80  }
0x23: {  	[tilespmem:s4], [sflag:$0x11] =	stream.linear.gather @!p0 [hbm4b:s7+s3], $0x2800, $0x38;
	[tilespmem:$0x3300] =	vst v63  }
0x24: {  	_ =	swait.ge @!p0 [sflag:s29], $0x2800  }
0x25: {  	[sflag:s29] =	ssyncset.done @!p0 $0x0  }
0x26: {  	[sflag:s29] =	ssyncadd.s32 @!p0 $0xFFFFD800  }
0x27: {  	[spmem:s1] =	stream.linear.scatter @!p0 [tilespmem:s4], [sflag:$0x11], $0x2800, $0x38;
	[tilespmem:$0x3300] =	vst v63  }
0x28: {  	_ =	swait.ge @!p0 [sflag:s29], $0x2800  }
0x29: {  	[sflag:s29] =	ssyncset.done @!p0 $0x0  }
0x2a: {  	[sflag:s29] =	ssyncadd.s32 @!p0 $0xFFFFD800  }
0x2b: {  	[bflag:$0x0] =	sbarrier.arrive $0xFFFF  }
0x2c: {  	[tilespmem:s2], [sflag:$0x1] =	stream.linear.gather [hbm4b:s6+s2], $0x100, $0x38;
	[tilespmem:$0x3300] =	vst v63  }
0x2d: {  	s8 =	simm.s32 $0x100;
	s25 =	rddreg [dreg:$0x7]  }
0x2e: {  	[tilespmem:s8], [sflag:$0x2] =	stream.linear.gather [hbm4b:s25+s2], $0x100, $0x38;
	[tilespmem:$0x3300] =	vst v63  }
0x2f: {  	s9 =	simm.s32 $0x200;
	s8 =	rddreg [dreg:$0x8]  }
0x30: {  	[tilespmem:s9], [sflag:$0x3] =	stream.linear.gather [hbm4b:s8+s2], $0x100, $0x38;
	[tilespmem:$0x3300] =	vst v63  }
0x31: {  	s12 =	simm.s32 $0x300;
	s10 =	rddreg [dreg:$0x9]  }
0x32: {  	[tilespmem:s12], [sflag:$0x4] =	stream.linear.gather [hbm4b:s10+s2], $0x100, $0x38;
	[tilespmem:$0x3300] =	vst v63  }
0x33: {  	s14 =	simm.s32 $0x400;
	s13 =	rddreg [dreg:$0xa]  }
0x34: {  	[tilespmem:s14], [sflag:$0x5] =	stream.linear.gather [hbm4b:s13+s2], $0x100, $0x38;
	[tilespmem:$0x3300] =	vst v63  }
0x35: {  	s15 =	rddreg [dreg:$0xb];
	s25 =	simm.s32 $0x500  }
0x36: {  	[tilespmem:s25], [sflag:$0x6] =	stream.linear.gather [hbm4b:s15+s2], $0x100, $0x38;
	[tilespmem:$0x3300] =	vst v63  }
0x37: {  	s9 =	rddreg [dreg:$0xc];
	s10 =	simm.s32 $0x600  }
0x38: {  	[tilespmem:s10], [sflag:$0x7] =	stream.linear.gather [hbm4b:s9+s2], $0x100, $0x38;
	[tilespmem:$0x3300] =	vst v63  }
0x39: {  	p1 =	sle.u32 s5, $0x8;
	_ =	swait.ge [sflag:s31], $0x100  }
0x3a: {  	p3 =	sne.s32 s17, $0x1;
	s14 =	simm.s32 $0x1;
	[sflag:s31] =	ssyncset.done $0x0  }
0x3b: {  	s8 =	simm.s32 $0x8;
	s7 =	sand.u32 $0x7, s14;
	[sflag:s31] =	ssyncadd.s32 $0xFFFFFF00  }
0x3c: {  	[spmem:s1] =	stream.indirect.scatter.add.f32 [tilespmem:s26], [sflag:$0x9], $0x1, s0, s0, $0xb8;
	[tilespmem:$0x3300] =	vst v63  }
0x3d: {  	s13 =	simm.s32 $0x700;
	s15 =	sadd.s32 $0x1, s7;
	s12 =	rddreg [dreg:$0xf]  }
0x3e: {  	[tilespmem:s13], [sflag:$0x8] =	stream.linear.gather [hbm4b:s12+s2], $0x100, $0x38;
	[tilespmem:$0x3300] =	vst v63  }
0x3f: {  	s9 =	sshll.u32 s7, $0x8;
	s7 =	sadd.s32 $0x9, s7;
	_ =	swait.ge [sflag:s15], $0x100  }
.Ltmp0:
0x40: {  	s10 =	sand.u32 @!p1 $0x7, s8;
	[sflag:s15] =	ssyncset.done $0x0;
	(pc) =	sbr.rel @!p3 .LBB2_2-.Ltmp0, $4  }
0x41: {  	s25 =	sor.u32 $0x80, s9;
	s9 =	sadd.s32 @!p1 $0x9, s10;
	[sflag:s15] =	ssyncadd.s32 $0xFFFFFF00  }
0x42: {  	[spmem:s1] =	stream.indirect.scatter.add.f32 [tilespmem:s26], [sflag:s7], $0x1, s25, s0, $0xb8;
	[tilespmem:$0x3300] =	vst v63  }
0x43: {  	p2 =	por $0x0, $0x0;
	_ =	swait.ge @!p1 [sflag:s9], $0x80  }
0x44: {  	s8 =	sshll.u32 @!p1 s10, $0x8;
	s10 =	sadd.s32 @!p1 $0x1, s10;
	[sflag:s9] =	ssyncset.done @!p1 $0x0  }
0x45: {  	s7 =	simm.s32 $0x2;
	[sflag:s9] =	ssyncadd.s32 @!p1 $0xFFFFFF80  }
0x46: {  	s9 =	simm.s32 @!p1 $0x0;
	p3 =	sne.s32 s17, $0x2;
	s25 =	sand.u32 $0x7, s7  }
0x47: {  	[tilespmem:s8], [sflag:s10] =	stream.linear.gather @!p1 [hbm4b:s11+s9], $0x100, $0x38;
	[tilespmem:$0x3300] =	vst v63  }
0x48: {  	s8 =	simm.s32 $0x9;
	p1 =	sle.u32 s5, $0x9;
	s12 =	sadd.s32 $0x1, s25  }
0x49: {  	s13 =	sshll.u32 s25, $0x8;
	s14 =	sadd.s32 $0x9, s25;
	_ =	swait.ge [sflag:s12], $0x100  }
.Ltmp1:
0x4a: {  	s25 =	sand.u32 @!p1 $0x7, s8;
	[sflag:s12] =	ssyncset.done $0x0;
	(pc) =	sbr.rel @!p3 .LBB2_4-.Ltmp1, $4  }
0x4b: {  	s15 =	sor.u32 $0x80, s13;
	s9 =	sadd.s32 @!p1 $0x9, s25;
	[sflag:s12] =	ssyncadd.s32 $0xFFFFFF00  }
0x4c: {  	[spmem:s1] =	stream.indirect.scatter.add.f32 [tilespmem:s26], [sflag:s14], $0x1, s15, s0, $0xb8;
	[tilespmem:$0x3300] =	vst v63  }
0x4d: {  	p2 =	por $0x1, $0x1;
	s8 =	sshll.u32 @!p1 s25, $0x8;
	_ =	swait.ge @!p1 [sflag:s9], $0x80  }
0x4e: {  	s10 =	sadd.s32 @!p1 $0x1, s25;
	s25 =	smov.u32 s11;
	[sflag:s9] =	ssyncset.done @!p1 $0x0  }
.LBB2_5:
0x4f: {  	s12 =	smov.u32 s7;
	s7 =	sadd.s32 $0x1, s7  }
0x50: {  	s25 =	sadd.s32 $0x20, s25;
	s13 =	sand.u32 $0x7, s7  }
0x51: {  	[sflag:s9] =	ssyncadd.s32 @!p1 $0xFFFFFF80;
	s9 =	simm.s32 @!p1 $0x0;
	s12 =	sadd.s32 $0x8, s12  }
0x52: {  	p3 =	sne.s32 s17, s7;
	s14 =	sadd.s32 $0x1, s13;
	s15 =	sshll.u32 s13, $0x8  }
0x53: {  	[tilespmem:s8], [sflag:s10] =	stream.linear.gather @!p1 [hbm4b:s25+s9], $0x100, $0x38;
	[tilespmem:$0x3300] =	vst v63  }
0x54: {  	s8 =	sadd.s32 $0x9, s13;
	p1 =	sge.u32 s12, s5;
	_ =	swait.ge [sflag:s14], $0x100  }
.Ltmp2:
0x55: {  	s10 =	sand.u32 @!p1 $0x7, s12;
	[sflag:s14] =	ssyncset.done $0x0;
	(pc) =	sbr.rel @p3 .LBB2_5-.Ltmp2, $4  }
0x56: {  	s12 =	sor.u32 $0x80, s15;
	s9 =	sadd.s32 @!p1 $0x9, s10;
	[sflag:s14] =	ssyncadd.s32 $0xFFFFFF00  }
0x57: {  	[spmem:s1] =	stream.indirect.scatter.add.f32 [tilespmem:s26], [sflag:s8], $0x1, s12, s0, $0xb8;
	[tilespmem:$0x3300] =	vst v63  }
0x58: {  	s8 =	sshll.u32 @!p1 s10, $0x8;
	s10 =	sadd.s32 @!p1 $0x1, s10;
	_ =	swait.ge @!p1 [sflag:s9], $0x80  }
0x59: {  	[sflag:s9] =	ssyncset.done @!p1 $0x0  }
.LBB2_6:
0x5a: {  	s7 =	sadd.s32 @p2 $0x20, s25;
	s12 =	smov.u32 s11  }
0x5b: {  	[sflag:s9] =	ssyncadd.s32 @!p1 $0xFFFFFF80;
	s9 =	simm.s32 @!p1 $0x0;
	s12 =	smov.u32 @p2 s7  }
0x5c: {  	[tilespmem:s8], [sflag:s10] =	stream.linear.gather @!p1 [hbm4b:s12+s9], $0x100, $0x38;
	[tilespmem:$0x3300] =	vst v63  }
0x5d: {  	_ =	swait.ge [sflag:s16], $0x80  }
0x5e: {  	[sflag:s16] =	ssyncset.done $0x0  }
0x5f: {  	[sflag:s16] =	ssyncadd.s32 $0xFFFFFF80  }
0x60: {  	_ =	swait.ge [sflag:s18], $0x80  }
0x61: {  	[sflag:s18] =	ssyncset.done $0x0  }
0x62: {  	[sflag:s18] =	ssyncadd.s32 $0xFFFFFF80  }
0x63: {  	_ =	swait.ge [sflag:s19], $0x80  }
0x64: {  	[sflag:s19] =	ssyncset.done $0x0  }
0x65: {  	[sflag:s19] =	ssyncadd.s32 $0xFFFFFF80  }
0x66: {  	_ =	swait.ge [sflag:s20], $0x80  }
0x67: {  	[sflag:s20] =	ssyncset.done $0x0  }
0x68: {  	[sflag:s20] =	ssyncadd.s32 $0xFFFFFF80  }
0x69: {  	_ =	swait.ge [sflag:s21], $0x80  }
0x6a: {  	[sflag:s21] =	ssyncset.done $0x0  }
0x6b: {  	[sflag:s21] =	ssyncadd.s32 $0xFFFFFF80  }
0x6c: {  	_ =	swait.ge [sflag:s22], $0x80  }
0x6d: {  	[sflag:s22] =	ssyncset.done $0x0  }
0x6e: {  	[sflag:s22] =	ssyncadd.s32 $0xFFFFFF80  }
0x6f: {  	_ =	swait.ge [sflag:s23], $0x80  }
0x70: {  	[sflag:s23] =	ssyncset.done $0x0  }
0x71: {  	[sflag:s23] =	ssyncadd.s32 $0xFFFFFF80  }
0x72: {  	_ =	swait.ge [sflag:s24], $0x80  }
0x73: {  	[sflag:s24] =	ssyncset.done $0x0  }
0x74: {  	[sflag:s24] =	ssyncadd.s32 $0xFFFFFF80  }
0x75: {  	[bflag:$0x0] =	sbarrier.arrive $0xFFFF  }
0x76: {  	[tilespmem:s4], [sflag:$0x11] =	stream.linear.gather @!p0 [spmem:s1], $0x2800, $0x38;
	[tilespmem:$0x3300] =	vst v63  }
0x77: {  	_ =	swait.ge @!p0 [sflag:s29], $0x2800  }
0x78: {  	[sflag:s29] =	ssyncset.done @!p0 $0x0  }
0x79: {  	s7 =	rddreg [dreg:$0xd];
	[sflag:s29] =	ssyncadd.s32 @!p0 $0xFFFFD800  }
0x7a: {  	[hbm4b:s7+s3] =	stream.linear.scatter @!p0 [tilespmem:s4], [sflag:$0x11], $0x2800, $0x38;
	[tilespmem:$0x3300] =	vst v63  }
0x7b: {  	_ =	swait.ge @!p0 [sflag:s29], $0x2800  }
0x7c: {  	s30 =	sadd.s32 $0x1, s30;
	s25 =	rddreg [dreg:$0xe]  }
0x7d: {  	p1 =	sne.s32 s30, s25  }
.Ltmp3:
0x7e: {  	_ = 	snop;
	(pc) =	sbr.rel @p1 .LBB2_1-.Ltmp3, $4  }
.Ltmp4:
0x7f: {  	_ = 	snop;
	(pc) =	sbr.rel @!p1 .LBB2_7-.Ltmp4, $4  }
0x80: {  	_ = 	snop  }
0x81: {  	[sflag:s29] =	ssyncset.done @!p0 $0x0  }
0x82: {  	[sflag:s29] =	ssyncadd.s32 @!p0 $0xFFFFD800  }
0x83: {  	_ = 	snop  }
.LBB2_2:
.Ltmp5:
0x84: {  	(pc) =	sbr.rel .LBB2_6-.Ltmp5, $2  }
0x85: {  	_ =	sdelay $0x2  }
0x86: {  	s25 =	smov.u32 s11  }
.LBB2_4:
.Ltmp6:
0x87: {  	(pc) =	sbr.rel .LBB2_6-.Ltmp6, $2  }
0x88: {  	_ =	sdelay $0x2  }
0x89: {  	s25 =	smov.u32 s11  }
.LBB2_7:
0x8a: {  	_ =	sfence.sel $0x180000  }
0x8b: {  	[bflag:$0x0] =	sbarrier.arrive $0xFFFF  }
0x8c: {  	_ =	strace $0x90000047  }
0x8d: {  	[bflag:$0x2] =	sbarrier.arrive $0xFFFF  }
0x8e: {  	s0 =	rddreg [dreg:$0x4]  }
0x8f: {  	s0 =	sadd.s32 @!p0 $0x100000, s0  }
0x90: {  	[sflag:s0] =	ssyncadd.tile.s32 @!p0 $0x1;
	_ =	shalt  }
.Lfunc_end2:
_tile_overlayer_lowered:
.L_overlay_start_2:
0x91: {  	(tag) =	ssettag $0x2  }
0x92: {  	s0 =	rddreg [dreg:$0x0];
	s2 =	stileid.u32  }
0x93: {  	s1 =	rddreg [dreg:$0x1];
	p0 =	sne.s32 s2, $0x0  }
0x94: {  	s3 =	rddreg [dreg:$0x2];
	[bflag:$0x3] =	sbarrier.arrive $0xFFFF;
	s2 =	simm.s32 @!p0 $0x1C11  }
0x95: {  	[timem:s3], [sflag:s2] =	dma.local @!p0 [hbm:s0], s1  }
0x96: {  	s0 =	simm.s32 @!p0 $0x11  }
0x97: {  	_ =	swait.ge @!p0 [sflag:s0], s1  }
0x98: {  	s1 =	ssub.s32 @!p0 $0x0, s1;
	[sflag:s0] =	ssyncset.done @!p0 $0x0  }
0x99: {  	[sflag:s0] =	ssyncadd.s32 @!p0 s1  }
0x9a: {  	[bflag:$0x3] =	sbarrier.arrive $0xFFFF  }
0x9b: {  	_ =	shalt  }

</sc_bundles>
